<compile_context>
chip_gen: v7x
topology: tpu7x:2x2x1
jax: 0.10.2.dev20260603
libtpu: 0.0.44.dev20260713+nightly
codegen_flags: <defaults>
</compile_context>

<pallas_src>
import functools

import jax
import jax.numpy as jnp
from jax import lax
from jax.experimental import pallas as pl
from jax.experimental.pallas import tpu as pltpu
from jax.experimental.pallas import tpu_sc as plsc

NUM_ITEMS = 100000
EMBED_DIM = 64
BATCH = 16384
PAD_DIM = 128
TILE_ROWS = 8
N_TILES = NUM_ITEMS // TILE_ROWS

_NC = 2
_NS = 16
_NW = _NC * _NS
_B_PER_W = BATCH // _NW
_L = 16
_OCH = 256
_NOCH = _B_PER_W // _OCH
_NG = _OCH // _L

_mesh = plsc.VectorSubcoreMesh(core_axis_name="c", subcore_axis_name="s")


@functools.partial(
    pl.kernel,
    mesh=_mesh,
    out_type=jax.ShapeDtypeStruct((BATCH, PAD_DIM), jnp.float32),
    scratch_types=[
        pltpu.VMEM((_B_PER_W,), jnp.int32),
        pltpu.VMEM((2, _OCH, PAD_DIM), jnp.float32),
        pltpu.VMEM((_OCH * EMBED_DIM,), jnp.int32),
        pltpu.SemaphoreType.DMA,
        pltpu.SemaphoreType.DMA,
        pltpu.SemaphoreType.DMA,
    ],
    compiler_params=pltpu.CompilerParams(
        use_tc_tiling_on_sc=True, needs_layout_passes=False
    ),
)
def _gather_kernel(idx_hbm, table_hbm, out_hbm, idx_v, rows_v, dummy_v,
                   semA, semB, osem):
    wid = lax.axis_index("s") * _NC + lax.axis_index("c")
    base = wid * _B_PER_W
    pltpu.sync_copy(idx_hbm.at[pl.ds(base, _B_PER_W)], idx_v)
    sems = (semA, semB)

    def _fire_chunk(j):
        sem = sems[j % 2]
        buf = j % 2

        def _group(g, carry):
            iv = idx_v[pl.ds(g * _L, _L)]
            tv = lax.shift_right_logical(iv, 3)
            rv = lax.rem(iv, TILE_ROWS)
            for t in range(_L):
                pltpu.async_copy(
                    table_hbm.at[tv[t], rv[t]],
                    rows_v.at[buf, lax.rem(g, _NG) * _L + t,
                              pl.ds(0, EMBED_DIM)],
                    sem,
                )
            return carry

        lax.fori_loop(j * _NG, (j + 1) * _NG, _group, 0, unroll=False)

    def _drain_chunk(j):
        pltpu.make_async_copy(
            idx_hbm.at[pl.ds(0, _OCH * EMBED_DIM)], dummy_v, sems[j % 2]
        ).wait()

    _fire_chunk(0)
    for j in range(_NOCH):
        if j + 1 < _NOCH:
            if j >= 1:
                pltpu.make_async_copy(
                    rows_v.at[0], out_hbm.at[pl.ds(0, _OCH)], osem
                ).wait()
            _fire_chunk(j + 1)
        _drain_chunk(j)
        pltpu.async_copy(
            rows_v.at[j % 2],
            out_hbm.at[pl.ds(base + j * _OCH, _OCH)],
            osem,
        )
    for _ in range(2):
        pltpu.make_async_copy(
            rows_v.at[0], out_hbm.at[pl.ds(0, _OCH)], osem
        ).wait()


def kernel(item_indices, embedding_table):
    tiled = jnp.reshape(embedding_table, (N_TILES, TILE_ROWS, EMBED_DIM))
    padded = _gather_kernel(item_indices.astype(jnp.int32), tiled)
    return padded[:, :EMBED_DIM]

# --- scband reference (transcript-rebuilt; emitter-appended) ---
"""Pipeline reference for scband-item-tower-34617436406232 (READ-ONLY COPY).

The authoritative reference and input builder live on the scoring server;
editing this copy changes nothing except your own understanding.
"""

import jax, jax.numpy as jnp
import numpy as np

NUM_ITEMS = 100000
EMBED_DIM = 64
BATCH = 16384

def setup_inputs(seed: int = 0) -> dict:
    key = jax.random.key(seed)
    k_idx, k_tab = jax.random.split(key)
    item_indices = jax.random.randint(k_idx, (BATCH,), 0, NUM_ITEMS, dtype=jnp.int64 if jax.config.jax_enable_x64 else jnp.int32)
    embedding_table = jax.random.normal(k_tab, (NUM_ITEMS, EMBED_DIM), dtype=jnp.float32)
    return {"item_indices": item_indices, "embedding_table": embedding_table}

def reference(item_indices, embedding_table):
    # nn.Embedding forward: gather rows of the table
    return jnp.take(embedding_table, item_indices, axis=0)

if __name__ == "__main__":
    import jax
    _d = setup_inputs()
    print(jax.jit(kernel)(*tuple(_d.values())))

</pallas_src>

<mosaic_0001>
#map = affine_map<(d0, d1) -> (0)>
#map1 = affine_map<(d0, d1) -> (0, 0, 0)>
#map2 = affine_map<(d0, d1) -> (0, 0)>
module attributes {stable_mosaic.version = 14 : i64} {
  func.func @_gather_kernel(%arg0: i32, %arg1: i32, %arg2: memref<16384xi32, #tpu.memory_space<hbm>>, %arg3: memref<12500x8x64xf32, #tpu.memory_space<hbm>>, %arg4: memref<16384x128xf32, #tpu.memory_space<hbm>>, %arg5: memref<512xi32, #tpu.memory_space<vmem>>, %arg6: memref<2x256x128xf32, #tpu.memory_space<vmem>>, %arg7: memref<16384xi32, #tpu.memory_space<vmem>>, %arg8: memref<!tpu.dma_semaphore, #tpu.memory_space<semaphore_mem>>, %arg9: memref<!tpu.dma_semaphore, #tpu.memory_space<semaphore_mem>>, %arg10: memref<!tpu.dma_semaphore, #tpu.memory_space<semaphore_mem>>) attributes {dimension_semantics = [#tpu.dimension_semantics<core_parallel>, #tpu.dimension_semantics<subcore_parallel>], iteration_bounds = array<i64: 2, 16>, scalar_prefetch = 0 : i64, scratch_operands = 6 : i64, tpu.core_type = #tpu.core_type<sc_vector_subcore>, window_params = [{transform_indices = #map}, {transform_indices = #map1}, {transform_indices = #map2}]} {
    %mul3A = arith.constant 2 : i32
    %mul3A_0 = arith.muli %arg1, %mul3A : i32
    %add3A = arith.addi %mul3A_0, %arg0 : i32
    %mul3A_1 = arith.constant 512 : i32
    %mul3A_2 = arith.muli %add3A, %mul3A_1 : i32
    "tpu.region"() ({
      %run_scoped3A = tpu.sem_alloc : memref<!tpu.dma_semaphore, #tpu.memory_space<semaphore_mem>>
      %dma_start3A_80 = tpu.memref_slice %arg2[%mul3A_2] : memref<16384xi32, #tpu.memory_space<hbm>> -> memref<512xi32, #tpu.memory_space<hbm>>
      %dma_start3A_81 = tpu.memref_slice %arg2[%mul3A_2] : memref<16384xi32, #tpu.memory_space<hbm>> -> memref<512xi32, #tpu.memory_space<hbm>>
      tpu.enqueue_dma source(%dma_start3A_81 : memref<512xi32, #tpu.memory_space<hbm>>) target(%arg5 : memref<512xi32, #tpu.memory_space<vmem>>) target_semaphore(%run_scoped3A : memref<!tpu.dma_semaphore, #tpu.memory_space<semaphore_mem>>)
      %dma_wait3A_82 = tpu.memref_slice %arg2[%mul3A_2] : memref<16384xi32, #tpu.memory_space<hbm>> -> memref<512xi32, #tpu.memory_space<hbm>>
      %dma_wait3A_83 = tpu.memref_slice %arg2[%mul3A_2] : memref<16384xi32, #tpu.memory_space<hbm>> -> memref<512xi32, #tpu.memory_space<hbm>>
      tpu.wait_dma2 semaphore(%run_scoped3A : memref<!tpu.dma_semaphore, #tpu.memory_space<semaphore_mem>>) src(%dma_wait3A_83 : memref<512xi32, #tpu.memory_space<hbm>>) dst(%arg5 : memref<512xi32, #tpu.memory_space<vmem>>)
      tpu.yield
    }) : () -> ()
    %scan3A = arith.constant 0 : i32
    %scan3A_3 = arith.constant 0 : i32
    %scan3A_4 = arith.constant 16 : i32
    %scan3A_5 = arith.addi %scan3A_3, %scan3A_4 : i32
    %scan3A_6 = arith.constant 1 : i32
    scf.for %scan3A_80 = %scan3A_3 to %scan3A_5 step %scan3A_6  : i32 {
      %mul3A_81 = arith.constant 16 : i32
      %mul3A_82 = arith.muli %scan3A_80, %mul3A_81 : i32
      %get3A = arith.index_cast %mul3A_82 : i32 to index
      %get3A_83 = tpu.vector_load %arg5[%get3A] {strides = array<i32>} : memref<512xi32, #tpu.memory_space<vmem>>, vector<16xi32>,
      %shift_right_logical3A = arith.constant 3 : i32
      %shift_right_logical3A_84 = vector.broadcast %shift_right_logical3A : i32 to vector<16xi32>
      %shift_right_logical3A_85 = arith.shrui %get3A_83, %shift_right_logical3A_84 : vector<16xi32>
      %rem3A = arith.constant 8 : i32
      %rem3A_86 = vector.broadcast %rem3A : i32 to vector<16xi32>
      %rem3A_87 = arith.remsi %get3A_83, %rem3A_86 : vector<16xi32>
      %slice3A = vector.extract_strided_slice %shift_right_logical3A_85 {offsets = [0], sizes = [1], strides = [1]} : vector<16xi32> to vector<1xi32>
      %squeeze3A = vector.extract %slice3A[0] : i32 from vector<1xi32>
      %slice3A_88 = vector.extract_strided_slice %rem3A_87 {offsets = [0], sizes = [1], strides = [1]} : vector<16xi32> to vector<1xi32>
      %squeeze3A_89 = vector.extract %slice3A_88[0] : i32 from vector<1xi32>
      %rem3A_90 = arith.constant 16 : i32
      %rem3A_91 = arith.remsi %scan3A_80, %rem3A_90 : i32
      %mul3A_92 = arith.constant 16 : i32
      %mul3A_93 = arith.muli %rem3A_91, %mul3A_92 : i32
      %add3A_94 = arith.constant 0 : i32
      %add3A_95 = arith.addi %mul3A_93, %add3A_94 : i32
      %dma_start3A_96 = arith.constant 0 : i32
      %dma_start3A_97 = arith.constant 0 : i32
      %dma_start3A_98 = tpu.memref_slice %arg6[%dma_start3A_96, %add3A_95, %dma_start3A_97] : memref<2x256x128xf32, #tpu.memory_space<vmem>> -> memref<1x1x64xf32, #tpu.memory_space<vmem>>
      %dma_start3A_99 = tpu.memref_squeeze %dma_start3A_98 : memref<1x1x64xf32, #tpu.memory_space<vmem>> -> memref<64xf32, #tpu.memory_space<vmem>>
      %dma_start3A_100 = arith.constant 0 : i32
      %dma_start3A_101 = tpu.memref_slice %arg3[%squeeze3A, %squeeze3A_89, %dma_start3A_100] : memref<12500x8x64xf32, #tpu.memory_space<hbm>> -> memref<1x1x64xf32, #tpu.memory_space<hbm>>
      %dma_start3A_102 = tpu.memref_squeeze %dma_start3A_101 : memref<1x1x64xf32, #tpu.memory_space<hbm>> -> memref<64xf32, #tpu.memory_space<hbm>>
      %dma_start3A_103 = arith.constant 0 : i32
      %dma_start3A_104 = tpu.memref_slice %arg6[%dma_start3A_96, %add3A_95, %dma_start3A_103] : memref<2x256x128xf32, #tpu.memory_space<vmem>> -> memref<1x1x64xf32, #tpu.memory_space<vmem>>
      %dma_start3A_105 = tpu.memref_squeeze %dma_start3A_104 : memref<1x1x64xf32, #tpu.memory_space<vmem>> -> memref<64xf32, #tpu.memory_space<vmem>>
      %dma_start3A_106 = arith.constant 0 : i32
      %dma_start3A_107 = tpu.memref_slice %arg3[%squeeze3A, %squeeze3A_89, %dma_start3A_106] : memref<12500x8x64xf32, #tpu.memory_space<hbm>> -> memref<1x1x64xf32, #tpu.memory_space<hbm>>
      %dma_start3A_108 = tpu.memref_squeeze %dma_start3A_107 : memref<1x1x64xf32, #tpu.memory_space<hbm>> -> memref<64xf32, #tpu.memory_space<hbm>>
      tpu.enqueue_dma source(%dma_start3A_108 : memref<64xf32, #tpu.memory_space<hbm>>) target(%dma_start3A_105 : memref<64xf32, #tpu.memory_space<vmem>>) target_semaphore(%arg8 : memref<!tpu.dma_semaphore, #tpu.memory_space<semaphore_mem>>)
      %slice3A_109 = vector.extract_strided_slice %shift_right_logical3A_85 {offsets = [1], sizes = [1], strides = [1]} : vector<16xi32> to vector<1xi32>
      %squeeze3A_110 = vector.extract %slice3A_109[0] : i32 from vector<1xi32>
      %slice3A_111 = vector.extract_strided_slice %rem3A_87 {offsets = [1], sizes = [1], strides = [1]} : vector<16xi32> to vector<1xi32>
      %squeeze3A_112 = vector.extract %slice3A_111[0] : i32 from vector<1xi32>
      %rem3A_113 = arith.constant 16 : i32
      %rem3A_114 = arith.remsi %scan3A_80, %rem3A_113 : i32
      %mul3A_115 = arith.constant 16 : i32
      %mul3A_116 = arith.muli %rem3A_114, %mul3A_115 : i32
      %add3A_117 = arith.constant 1 : i32
      %add3A_118 = arith.addi %mul3A_116, %add3A_117 : i32
      %dma_start3A_119 = arith.constant 0 : i32
      %dma_start3A_120 = arith.constant 0 : i32
      %dma_start3A_121 = tpu.memref_slice %arg6[%dma_start3A_119, %add3A_118, %dma_start3A_120] : memref<2x256x128xf32, #tpu.memory_space<vmem>> -> memref<1x1x64xf32, #tpu.memory_space<vmem>>
      %dma_start3A_122 = tpu.memref_squeeze %dma_start3A_121 : memref<1x1x64xf32, #tpu.memory_space<vmem>> -> memref<64xf32, #tpu.memory_space<vmem>>
      %dma_start3A_123 = arith.constant 0 : i32
      %dma_start3A_124 = tpu.memref_slice %arg3[%squeeze3A_110, %squeeze3A_112, %dma_start3A_123] : memref<12500x8x64xf32, #tpu.memory_space<hbm>> -> memref<1x1x64xf32, #tpu.memory_space<hbm>>
      %dma_start3A_125 = tpu.memref_squeeze %dma_start3A_124 : memref<1x1x64xf32, #tpu.memory_space<hbm>> -> memref<64xf32, #tpu.memory_space<hbm>>
      %dma_start3A_126 = arith.constant 0 : i32
      %dma_start3A_127 = tpu.memref_slice %arg6[%dma_start3A_119, %add3A_118, %dma_start3A_126] : memref<2x256x128xf32, #tpu.memory_space<vmem>> -> memref<1x1x64xf32, #tpu.memory_space<vmem>>
      %dma_start3A_128 = tpu.memref_squeeze %dma_start3A_127 : memref<1x1x64xf32, #tpu.memory_space<vmem>> -> memref<64xf32, #tpu.memory_space<vmem>>
      %dma_start3A_129 = arith.constant 0 : i32
      %dma_start3A_130 = tpu.memref_slice %arg3[%squeeze3A_110, %squeeze3A_112, %dma_start3A_129] : memref<12500x8x64xf32, #tpu.memory_space<hbm>> -> memref<1x1x64xf32, #tpu.memory_space<hbm>>
      %dma_start3A_131 = tpu.memref_squeeze %dma_start3A_130 : memref<1x1x64xf32, #tpu.memory_space<hbm>> -> memref<64xf32, #tpu.memory_space<hbm>>
      tpu.enqueue_dma source(%dma_start3A_131 : memref<64xf32, #tpu.memory_space<hbm>>) target(%dma_start3A_128 : memref<64xf32, #tpu.memory_space<vmem>>) target_semaphore(%arg8 : memref<!tpu.dma_semaphore, #tpu.memory_space<semaphore_mem>>)
      %slice3A_132 = vector.extract_strided_slice %shift_right_logical3A_85 {offsets = [2], sizes = [1], strides = [1]} : vector<16xi32> to vector<1xi32>
      %squeeze3A_133 = vector.extract %slice3A_132[0] : i32 from vector<1xi32>
      %slice3A_134 = vector.extract_strided_slice %rem3A_87 {offsets = [2], sizes = [1], strides = [1]} : vector<16xi32> to vector<1xi32>
      %squeeze3A_135 = vector.extract %slice3A_134[0] : i32 from vector<1xi32>
      %rem3A_136 = arith.constant 16 : i32
      %rem3A_137 = arith.remsi %scan3A_80, %rem3A_136 : i32
      %mul3A_138 = arith.constant 16 : i32
      %mul3A_139 = arith.muli %rem3A_137, %mul3A_138 : i32
      %add3A_140 = arith.constant 2 : i32
      %add3A_141 = arith.addi %mul3A_139, %add3A_140 : i32
      %dma_start3A_142 = arith.constant 0 : i32
      %dma_start3A_143 = arith.constant 0 : i32
      %dma_start3A_144 = tpu.memref_slice %arg6[%dma_start3A_142, %add3A_141, %dma_start3A_143] : memref<2x256x128xf32, #tpu.memory_space<vmem>> -> memref<1x1x64xf32, #tpu.memory_space<vmem>>
      %dma_start3A_145 = tpu.memref_squeeze %dma_start3A_144 : memref<1x1x64xf32, #tpu.memory_space<vmem>> -> memref<64xf32, #tpu.memory_space<vmem>>
      %dma_start3A_146 = arith.constant 0 : i32
      %dma_start3A_147 = tpu.memref_slice %arg3[%squeeze3A_133, %squeeze3A_135, %dma_start3A_146] : memref<12500x8x64xf32, #tpu.memory_space<hbm>> -> memref<1x1x64xf32, #tpu.memory_space<hbm>>
      %dma_start3A_148 = tpu.memref_squeeze %dma_start3A_147 : memref<1x1x64xf32, #tpu.memory_space<hbm>> -> memref<64xf32, #tpu.memory_space<hbm>>
      %dma_start3A_149 = arith.constant 0 : i32
      %dma_start3A_150 = tpu.memref_slice %arg6[%dma_start3A_142, %add3A_141, %dma_start3A_149] : memref<2x256x128xf32, #tpu.memory_space<vmem>> -> memref<1x1x64xf32, #tpu.memory_space<vmem>>
      %dma_start3A_151 = tpu.memref_squeeze %dma_start3A_150 : memref<1x1x64xf32, #tpu.memory_space<vmem>> -> memref<64xf32, #tpu.memory_space<vmem>>
      %dma_start3A_152 = arith.constant 0 : i32
      %dma_start3A_153 = tpu.memref_slice %arg3[%squeeze3A_133, %squeeze3A_135, %dma_start3A_152] : memref<12500x8x64xf32, #tpu.memory_space<hbm>> -> memref<1x1x64xf32, #tpu.memory_space<hbm>>
      %dma_start3A_154 = tpu.memref_squeeze %dma_start3A_153 : memref<1x1x64xf32, #tpu.memory_space<hbm>> -> memref<64xf32, #tpu.memory_space<hbm>>
      tpu.enqueue_dma source(%dma_start3A_154 : memref<64xf32, #tpu.memory_space<hbm>>) target(%dma_start3A_151 : memref<64xf32, #tpu.memory_space<vmem>>) target_semaphore(%arg8 : memref<!tpu.dma_semaphore, #tpu.memory_space<semaphore_mem>>)
      %slice3A_155 = vector.extract_strided_slice %shift_right_logical3A_85 {offsets = [3], sizes = [1], strides = [1]} : vector<16xi32> to vector<1xi32>
      %squeeze3A_156 = vector.extract %slice3A_155[0] : i32 from vector<1xi32>
      %slice3A_157 = vector.extract_strided_slice %rem3A_87 {offsets = [3], sizes = [1], strides = [1]} : vector<16xi32> to vector<1xi32>
      %squeeze3A_158 = vector.extract %slice3A_157[0] : i32 from vector<1xi32>
      %rem3A_159 = arith.constant 16 : i32
      %rem3A_160 = arith.remsi %scan3A_80, %rem3A_159 : i32
      %mul3A_161 = arith.constant 16 : i32
      %mul3A_162 = arith.muli %rem3A_160, %mul3A_161 : i32
      %add3A_163 = arith.constant 3 : i32
      %add3A_164 = arith.addi %mul3A_162, %add3A_163 : i32
      %dma_start3A_165 = arith.constant 0 : i32
      %dma_start3A_166 = arith.constant 0 : i32
      %dma_start3A_167 = tpu.memref_slice %arg6[%dma_start3A_165, %add3A_164, %dma_start3A_166] : memref<2x256x128xf32, #tpu.memory_space<vmem>> -> memref<1x1x64xf32, #tpu.memory_space<vmem>>
      %dma_start3A_168 = tpu.memref_squeeze %dma_start3A_167 : memref<1x1x64xf32, #tpu.memory_space<vmem>> -> memref<64xf32, #tpu.memory_space<vmem>>
      %dma_start3A_169 = arith.constant 0 : i32
      %dma_start3A_170 = tpu.memref_slice %arg3[%squeeze3A_156, %squeeze3A_158, %dma_start3A_169] : memref<12500x8x64xf32, #tpu.memory_space<hbm>> -> memref<1x1x64xf32, #tpu.memory_space<hbm>>
      %dma_start3A_171 = tpu.memref_squeeze %dma_start3A_170 : memref<1x1x64xf32, #tpu.memory_space<hbm>> -> memref<64xf32, #tpu.memory_space<hbm>>
      %dma_start3A_172 = arith.constant 0 : i32
      %dma_start3A_173 = tpu.memref_slice %arg6[%dma_start3A_165, %add3A_164, %dma_start3A_172] : memref<2x256x128xf32, #tpu.memory_space<vmem>> -> memref<1x1x64xf32, #tpu.memory_space<vmem>>
      %dma_start3A_174 = tpu.memref_squeeze %dma_start3A_173 : memref<1x1x64xf32, #tpu.memory_space<vmem>> -> memref<64xf32, #tpu.memory_space<vmem>>
      %dma_start3A_175 = arith.constant 0 : i32
      %dma_start3A_176 = tpu.memref_slice %arg3[%squeeze3A_156, %squeeze3A_158, %dma_start3A_175] : memref<12500x8x64xf32, #tpu.memory_space<hbm>> -> memref<1x1x64xf32, #tpu.memory_space<hbm>>
      %dma_start3A_177 = tpu.memref_squeeze %dma_start3A_176 : memref<1x1x64xf32, #tpu.memory_space<hbm>> -> memref<64xf32, #tpu.memory_space<hbm>>
      tpu.enqueue_dma source(%dma_start3A_177 : memref<64xf32, #tpu.memory_space<hbm>>) target(%dma_start3A_174 : memref<64xf32, #tpu.memory_space<vmem>>) target_semaphore(%arg8 : memref<!tpu.dma_semaphore, #tpu.memory_space<semaphore_mem>>)
      %slice3A_178 = vector.extract_strided_slice %shift_right_logical3A_85 {offsets = [4], sizes = [1], strides = [1]} : vector<16xi32> to vector<1xi32>
      %squeeze3A_179 = vector.extract %slice3A_178[0] : i32 from vector<1xi32>
      %slice3A_180 = vector.extract_strided_slice %rem3A_87 {offsets = [4], sizes = [1], strides = [1]} : vector<16xi32> to vector<1xi32>
      %squeeze3A_181 = vector.extract %slice3A_180[0] : i32 from vector<1xi32>
      %rem3A_182 = arith.constant 16 : i32
      %rem3A_183 = arith.remsi %scan3A_80, %rem3A_182 : i32
      %mul3A_184 = arith.constant 16 : i32
      %mul3A_185 = arith.muli %rem3A_183, %mul3A_184 : i32
      %add3A_186 = arith.constant 4 : i32
      %add3A_187 = arith.addi %mul3A_185, %add3A_186 : i32
      %dma_start3A_188 = arith.constant 0 : i32
      %dma_start3A_189 = arith.constant 0 : i32
      %dma_start3A_190 = tpu.memref_slice %arg6[%dma_start3A_188, %add3A_187, %dma_start3A_189] : memref<2x256x128xf32, #tpu.memory_space<vmem>> -> memref<1x1x64xf32, #tpu.memory_space<vmem>>
      %dma_start3A_191 = tpu.memref_squeeze %dma_start3A_190 : memref<1x1x64xf32, #tpu.memory_space<vmem>> -> memref<64xf32, #tpu.memory_space<vmem>>
      %dma_start3A_192 = arith.constant 0 : i32
      %dma_start3A_193 = tpu.memref_slice %arg3[%squeeze3A_179, %squeeze3A_181, %dma_start3A_192] : memref<12500x8x64xf32, #tpu.memory_space<hbm>> -> memref<1x1x64xf32, #tpu.memory_space<hbm>>
      %dma_start3A_194 = tpu.memref_squeeze %dma_start3A_193 : memref<1x1x64xf32, #tpu.memory_space<hbm>> -> memref<64xf32, #tpu.memory_space<hbm>>
      %dma_start3A_195 = arith.constant 0 : i32
      %dma_start3A_196 = tpu.memref_slice %arg6[%dma_start3A_188, %add3A_187, %dma_start3A_195] : memref<2x256x128xf32, #tpu.memory_space<vmem>> -> memref<1x1x64xf32, #tpu.memory_space<vmem>>
      %dma_start3A_197 = tpu.memref_squeeze %dma_start3A_196 : memref<1x1x64xf32, #tpu.memory_space<vmem>> -> memref<64xf32, #tpu.memory_space<vmem>>
      %dma_start3A_198 = arith.constant 0 : i32
      %dma_start3A_199 = tpu.memref_slice %arg3[%squeeze3A_179, %squeeze3A_181, %dma_start3A_198] : memref<12500x8x64xf32, #tpu.memory_space<hbm>> -> memref<1x1x64xf32, #tpu.memory_space<hbm>>
      %dma_start3A_200 = tpu.memref_squeeze %dma_start3A_199 : memref<1x1x64xf32, #tpu.memory_space<hbm>> -> memref<64xf32, #tpu.memory_space<hbm>>
      tpu.enqueue_dma source(%dma_start3A_200 : memref<64xf32, #tpu.memory_space<hbm>>) target(%dma_start3A_197 : memref<64xf32, #tpu.memory_space<vmem>>) target_semaphore(%arg8 : memref<!tpu.dma_semaphore, #tpu.memory_space<semaphore_mem>>)
      %slice3A_201 = vector.extract_strided_slice %shift_right_logical3A_85 {offsets = [5], sizes = [1], strides = [1]} : vector<16xi32> to vector<1xi32>
      %squeeze3A_202 = vector.extract %slice3A_201[0] : i32 from vector<1xi32>
      %slice3A_203 = vector.extract_strided_slice %rem3A_87 {offsets = [5], sizes = [1], strides = [1]} : vector<16xi32> to vector<1xi32>
      %squeeze3A_204 = vector.extract %slice3A_203[0] : i32 from vector<1xi32>
      %rem3A_205 = arith.constant 16 : i32
      %rem3A_206 = arith.remsi %scan3A_80, %rem3A_205 : i32
      %mul3A_207 = arith.constant 16 : i32
      %mul3A_208 = arith.muli %rem3A_206, %mul3A_207 : i32
      %add3A_209 = arith.constant 5 : i32
      %add3A_210 = arith.addi %mul3A_208, %add3A_209 : i32
      %dma_start3A_211 = arith.constant 0 : i32
      %dma_start3A_212 = arith.constant 0 : i32
      %dma_start3A_213 = tpu.memref_slice %arg6[%dma_start3A_211, %add3A_210, %dma_start3A_212] : memref<2x256x128xf32, #tpu.memory_space<vmem>> -> memref<1x1x64xf32, #tpu.memory_space<vmem>>
      %dma_start3A_214 = tpu.memref_squeeze %dma_start3A_213 : memref<1x1x64xf32, #tpu.memory_space<vmem>> -> memref<64xf32, #tpu.memory_space<vmem>>
      %dma_start3A_215 = arith.constant 0 : i32
      %dma_start3A_216 = tpu.memref_slice %arg3[%squeeze3A_202, %squeeze3A_204, %dma_start3A_215] : memref<12500x8x64xf32, #tpu.memory_space<hbm>> -> memref<1x1x64xf32, #tpu.memory_space<hbm>>
      %dma_start3A_217 = tpu.memref_squeeze %dma_start3A_216 : memref<1x1x64xf32, #tpu.memory_space<hbm>> -> memref<64xf32, #tpu.memory_space<hbm>>
      %dma_start3A_218 = arith.constant 0 : i32
      %dma_start3A_219 = tpu.memref_slice %arg6[%dma_start3A_211, %add3A_210, %dma_start3A_218] : memref<2x256x128xf32, #tpu.memory_space<vmem>> -> memref<1x1x64xf32, #tpu.memory_space<vmem>>
      %dma_start3A_220 = tpu.memref_squeeze %dma_start3A_219 : memref<1x1x64xf32, #tpu.memory_space<vmem>> -> memref<64xf32, #tpu.memory_space<vmem>>
      %dma_start3A_221 = arith.constant 0 : i32
      %dma_start3A_222 = tpu.memref_slice %arg3[%squeeze3A_202, %squeeze3A_204, %dma_start3A_221] : memref<12500x8x64xf32, #tpu.memory_space<hbm>> -> memref<1x1x64xf32, #tpu.memory_space<hbm>>
      %dma_start3A_223 = tpu.memref_squeeze %dma_start3A_222 : memref<1x1x64xf32, #tpu.memory_space<hbm>> -> memref<64xf32, #tpu.memory_space<hbm>>
      tpu.enqueue_dma source(%dma_start3A_223 : memref<64xf32, #tpu.memory_space<hbm>>) target(%dma_start3A_220 : memref<64xf32, #tpu.memory_space<vmem>>) target_semaphore(%arg8 : memref<!tpu.dma_semaphore, #tpu.memory_space<semaphore_mem>>)
      %slice3A_224 = vector.extract_strided_slice %shift_right_logical3A_85 {offsets = [6], sizes = [1], strides = [1]} : vector<16xi32> to vector<1xi32>
      %squeeze3A_225 = vector.extract %slice3A_224[0] : i32 from vector<1xi32>
      %slice3A_226 = vector.extract_strided_slice %rem3A_87 {offsets = [6], sizes = [1], strides = [1]} : vector<16xi32> to vector<1xi32>
      %squeeze3A_227 = vector.extract %slice3A_226[0] : i32 from vector<1xi32>
      %rem3A_228 = arith.constant 16 : i32
      %rem3A_229 = arith.remsi %scan3A_80, %rem3A_228 : i32
      %mul3A_230 = arith.constant 16 : i32
      %mul3A_231 = arith.muli %rem3A_229, %mul3A_230 : i32
      %add3A_232 = arith.constant 6 : i32
      %add3A_233 = arith.addi %mul3A_231, %add3A_232 : i32
      %dma_start3A_234 = arith.constant 0 : i32
      %dma_start3A_235 = arith.constant 0 : i32
      %dma_start3A_236 = tpu.memref_slice %arg6[%dma_start3A_234, %add3A_233, %dma_start3A_235] : memref<2x256x128xf32, #tpu.memory_space<vmem>> -> memref<1x1x64xf32, #tpu.memory_space<vmem>>
      %dma_start3A_237 = tpu.memref_squeeze %dma_start3A_236 : memref<1x1x64xf32, #tpu.memory_space<vmem>> -> memref<64xf32, #tpu.memory_space<vmem>>
      %dma_start3A_238 = arith.constant 0 : i32
      %dma_start3A_239 = tpu.memref_slice %arg3[%squeeze3A_225, %squeeze3A_227, %dma_start3A_238] : memref<12500x8x64xf32, #tpu.memory_space<hbm>> -> memref<1x1x64xf32, #tpu.memory_space<hbm>>
      %dma_start3A_240 = tpu.memref_squeeze %dma_start3A_239 : memref<1x1x64xf32, #tpu.memory_space<hbm>> -> memref<64xf32, #tpu.memory_space<hbm>>
      %dma_start3A_241 = arith.constant 0 : i32
      %dma_start3A_242 = tpu.memref_slice %arg6[%dma_start3A_234, %add3A_233, %dma_start3A_241] : memref<2x256x128xf32, #tpu.memory_space<vmem>> -> memref<1x1x64xf32, #tpu.memory_space<vmem>>
      %dma_start3A_243 = tpu.memref_squeeze %dma_start3A_242 : memref<1x1x64xf32, #tpu.memory_space<vmem>> -> memref<64xf32, #tpu.memory_space<vmem>>
      %dma_start3A_244 = arith.constant 0 : i32
      %dma_start3A_245 = tpu.memref_slice %arg3[%squeeze3A_225, %squeeze3A_227, %dma_start3A_244] : memref<12500x8x64xf32, #tpu.memory_space<hbm>> -> memref<1x1x64xf32, #tpu.memory_space<hbm>>
      %dma_start3A_246 = tpu.memref_squeeze %dma_start3A_245 : memref<1x1x64xf32, #tpu.memory_space<hbm>> -> memref<64xf32, #tpu.memory_space<hbm>>
      tpu.enqueue_dma source(%dma_start3A_246 : memref<64xf32, #tpu.memory_space<hbm>>) target(%dma_start3A_243 : memref<64xf32, #tpu.memory_space<vmem>>) target_semaphore(%arg8 : memref<!tpu.dma_semaphore, #tpu.memory_space<semaphore_mem>>)
      %slice3A_247 = vector.extract_strided_slice %shift_right_logical3A_85 {offsets = [7], sizes = [1], strides = [1]} : vector<16xi32> to vector<1xi32>
      %squeeze3A_248 = vector.extract %slice3A_247[0] : i32 from vector<1xi32>
      %slice3A_249 = vector.extract_strided_slice %rem3A_87 {offsets = [7], sizes = [1], strides = [1]} : vector<16xi32> to vector<1xi32>
      %squeeze3A_250 = vector.extract %slice3A_249[0] : i32 from vector<1xi32>
      %rem3A_251 = arith.constant 16 : i32
      %rem3A_252 = arith.remsi %scan3A_80, %rem3A_251 : i32
      %mul3A_253 = arith.constant 16 : i32
      %mul3A_254 = arith.muli %rem3A_252, %mul3A_253 : i32
      %add3A_255 = arith.constant 7 : i32
      %add3A_256 = arith.addi %mul3A_254, %add3A_255 : i32
      %dma_start3A_257 = arith.constant 0 : i32
      %dma_start3A_258 = arith.constant 0 : i32
      %dma_start3A_259 = tpu.memref_slice %arg6[%dma_start3A_257, %add3A_256, %dma_start3A_258] : memref<2x256x128xf32, #tpu.memory_space<vmem>> -> memref<1x1x64xf32, #tpu.memory_space<vmem>>
      %dma_start3A_260 = tpu.memref_squeeze %dma_start3A_259 : memref<1x1x64xf32, #tpu.memory_space<vmem>> -> memref<64xf32, #tpu.memory_space<vmem>>
      %dma_start3A_261 = arith.constant 0 : i32
      %dma_start3A_262 = tpu.memref_slice %arg3[%squeeze3A_248, %squeeze3A_250, %dma_start3A_261] : memref<12500x8x64xf32, #tpu.memory_space<hbm>> -> memref<1x1x64xf32, #tpu.memory_space<hbm>>
      %dma_start3A_263 = tpu.memref_squeeze %dma_start3A_262 : memref<1x1x64xf32, #tpu.memory_space<hbm>> -> memref<64xf32, #tpu.memory_space<hbm>>
      %dma_start3A_264 = arith.constant 0 : i32
      %dma_start3A_265 = tpu.memref_slice %arg6[%dma_start3A_257, %add3A_256, %dma_start3A_264] : memref<2x256x128xf32, #tpu.memory_space<vmem>> -> memref<1x1x64xf32, #tpu.memory_space<vmem>>
      %dma_start3A_266 = tpu.memref_squeeze %dma_start3A_265 : memref<1x1x64xf32, #tpu.memory_space<vmem>> -> memref<64xf32, #tpu.memory_space<vmem>>
      %dma_start3A_267 = arith.constant 0 : i32
      %dma_start3A_268 = tpu.memref_slice %arg3[%squeeze3A_248, %squeeze3A_250, %dma_start3A_267] : memref<12500x8x64xf32, #tpu.memory_space<hbm>> -> memref<1x1x64xf32, #tpu.memory_space<hbm>>
      %dma_start3A_269 = tpu.memref_squeeze %dma_start3A_268 : memref<1x1x64xf32, #tpu.memory_space<hbm>> -> memref<64xf32, #tpu.memory_space<hbm>>
      tpu.enqueue_dma source(%dma_start3A_269 : memref<64xf32, #tpu.memory_space<hbm>>) target(%dma_start3A_266 : memref<64xf32, #tpu.memory_space<vmem>>) target_semaphore(%arg8 : memref<!tpu.dma_semaphore, #tpu.memory_space<semaphore_mem>>)
      %slice3A_270 = vector.extract_strided_slice %shift_right_logical3A_85 {offsets = [8], sizes = [1], strides = [1]} : vector<16xi32> to vector<1xi32>
      %squeeze3A_271 = vector.extract %slice3A_270[0] : i32 from vector<1xi32>
      %slice3A_272 = vector.extract_strided_slice %rem3A_87 {offsets = [8], sizes = [1], strides = [1]} : vector<16xi32> to vector<1xi32>
      %squeeze3A_273 = vector.extract %slice3A_272[0] : i32 from vector<1xi32>
      %rem3A_274 = arith.constant 16 : i32
      %rem3A_275 = arith.remsi %scan3A_80, %rem3A_274 : i32
      %mul3A_276 = arith.constant 16 : i32
      %mul3A_277 = arith.muli %rem3A_275, %mul3A_276 : i32
      %add3A_278 = arith.constant 8 : i32
      %add3A_279 = arith.addi %mul3A_277, %add3A_278 : i32
      %dma_start3A_280 = arith.constant 0 : i32
      %dma_start3A_281 = arith.constant 0 : i32
      %dma_start3A_282 = tpu.memref_slice %arg6[%dma_start3A_280, %add3A_279, %dma_start3A_281] : memref<2x256x128xf32, #tpu.memory_space<vmem>> -> memref<1x1x64xf32, #tpu.memory_space<vmem>>
      %dma_start3A_283 = tpu.memref_squeeze %dma_start3A_282 : memref<1x1x64xf32, #tpu.memory_space<vmem>> -> memref<64xf32, #tpu.memory_space<vmem>>
      %dma_start3A_284 = arith.constant 0 : i32
      %dma_start3A_285 = tpu.memref_slice %arg3[%squeeze3A_271, %squeeze3A_273, %dma_start3A_284] : memref<12500x8x64xf32, #tpu.memory_space<hbm>> -> memref<1x1x64xf32, #tpu.memory_space<hbm>>
      %dma_start3A_286 = tpu.memref_squeeze %dma_start3A_285 : memref<1x1x64xf32, #tpu.memory_space<hbm>> -> memref<64xf32, #tpu.memory_space<hbm>>
      %dma_start3A_287 = arith.constant 0 : i32
      %dma_start3A_288 = tpu.memref_slice %arg6[%dma_start3A_280, %add3A_279, %dma_start3A_287] : memref<2x256x128xf32, #tpu.memory_space<vmem>> -> memref<1x1x64xf32, #tpu.memory_space<vmem>>
      %dma_start3A_289 = tpu.memref_squeeze %dma_start3A_288 : memref<1x1x64xf32, #tpu.memory_space<vmem>> -> memref<64xf32, #tpu.memory_space<vmem>>
      %dma_start3A_290 = arith.constant 0 : i32
      %dma_start3A_291 = tpu.memref_slice %arg3[%squeeze3A_271, %squeeze3A_273, %dma_start3A_290] : memref<12500x8x64xf32, #tpu.memory_space<hbm>> -> memref<1x1x64xf32, #tpu.memory_space<hbm>>
      %dma_start3A_292 = tpu.memref_squeeze %dma_start3A_291 : memref<1x1x64xf32, #tpu.memory_space<hbm>> -> memref<64xf32, #tpu.memory_space<hbm>>
      tpu.enqueue_dma source(%dma_start3A_292 : memref<64xf32, #tpu.memory_space<hbm>>) target(%dma_start3A_289 : memref<64xf32, #tpu.memory_space<vmem>>) target_semaphore(%arg8 : memref<!tpu.dma_semaphore, #tpu.memory_space<semaphore_mem>>)
      %slice3A_293 = vector.extract_strided_slice %shift_right_logical3A_85 {offsets = [9], sizes = [1], strides = [1]} : vector<16xi32> to vector<1xi32>
      %squeeze3A_294 = vector.extract %slice3A_293[0] : i32 from vector<1xi32>
      %slice3A_295 = vector.extract_strided_slice %rem3A_87 {offsets = [9], sizes = [1], strides = [1]} : vector<16xi32> to vector<1xi32>
      %squeeze3A_296 = vector.extract %slice3A_295[0] : i32 from vector<1xi32>
      %rem3A_297 = arith.constant 16 : i32
      %rem3A_298 = arith.remsi %scan3A_80, %rem3A_297 : i32
      %mul3A_299 = arith.constant 16 : i32
      %mul3A_300 = arith.muli %rem3A_298, %mul3A_299 : i32
      %add3A_301 = arith.constant 9 : i32
      %add3A_302 = arith.addi %mul3A_300, %add3A_301 : i32
      %dma_start3A_303 = arith.constant 0 : i32
      %dma_start3A_304 = arith.constant 0 : i32
      %dma_start3A_305 = tpu.memref_slice %arg6[%dma_start3A_303, %add3A_302, %dma_start3A_304] : memref<2x256x128xf32, #tpu.memory_space<vmem>> -> memref<1x1x64xf32, #tpu.memory_space<vmem>>
      %dma_start3A_306 = tpu.memref_squeeze %dma_start3A_305 : memref<1x1x64xf32, #tpu.memory_space<vmem>> -> memref<64xf32, #tpu.memory_space<vmem>>
      %dma_start3A_307 = arith.constant 0 : i32
      %dma_start3A_308 = tpu.memref_slice %arg3[%squeeze3A_294, %squeeze3A_296, %dma_start3A_307] : memref<12500x8x64xf32, #tpu.memory_space<hbm>> -> memref<1x1x64xf32, #tpu.memory_space<hbm>>
      %dma_start3A_309 = tpu.memref_squeeze %dma_start3A_308 : memref<1x1x64xf32, #tpu.memory_space<hbm>> -> memref<64xf32, #tpu.memory_space<hbm>>
      %dma_start3A_310 = arith.constant 0 : i32
      %dma_start3A_311 = tpu.memref_slice %arg6[%dma_start3A_303, %add3A_302, %dma_start3A_310] : memref<2x256x128xf32, #tpu.memory_space<vmem>> -> memref<1x1x64xf32, #tpu.memory_space<vmem>>
      %dma_start3A_312 = tpu.memref_squeeze %dma_start3A_311 : memref<1x1x64xf32, #tpu.memory_space<vmem>> -> memref<64xf32, #tpu.memory_space<vmem>>
      %dma_start3A_313 = arith.constant 0 : i32
      %dma_start3A_314 = tpu.memref_slice %arg3[%squeeze3A_294, %squeeze3A_296, %dma_start3A_313] : memref<12500x8x64xf32, #tpu.memory_space<hbm>> -> memref<1x1x64xf32, #tpu.memory_space<hbm>>
      %dma_start3A_315 = tpu.memref_squeeze %dma_start3A_314 : memref<1x1x64xf32, #tpu.memory_space<hbm>> -> memref<64xf32, #tpu.memory_space<hbm>>
      tpu.enqueue_dma source(%dma_start3A_315 : memref<64xf32, #tpu.memory_space<hbm>>) target(%dma_start3A_312 : memref<64xf32, #tpu.memory_space<vmem>>) target_semaphore(%arg8 : memref<!tpu.dma_semaphore, #tpu.memory_space<semaphore_mem>>)
      %slice3A_316 = vector.extract_strided_slice %shift_right_logical3A_85 {offsets = [10], sizes = [1], strides = [1]} : vector<16xi32> to vector<1xi32>
      %squeeze3A_317 = vector.extract %slice3A_316[0] : i32 from vector<1xi32>
      %slice3A_318 = vector.extract_strided_slice %rem3A_87 {offsets = [10], sizes = [1], strides = [1]} : vector<16xi32> to vector<1xi32>
      %squeeze3A_319 = vector.extract %slice3A_318[0] : i32 from vector<1xi32>
      %rem3A_320 = arith.constant 16 : i32
      %rem3A_321 = arith.remsi %scan3A_80, %rem3A_320 : i32
      %mul3A_322 = arith.constant 16 : i32
      %mul3A_323 = arith.muli %rem3A_321, %mul3A_322 : i32
      %add3A_324 = arith.constant 10 : i32
      %add3A_325 = arith.addi %mul3A_323, %add3A_324 : i32
      %dma_start3A_326 = arith.constant 0 : i32
      %dma_start3A_327 = arith.constant 0 : i32
      %dma_start3A_328 = tpu.memref_slice %arg6[%dma_start3A_326, %add3A_325, %dma_start3A_327] : memref<2x256x128xf32, #tpu.memory_space<vmem>> -> memref<1x1x64xf32, #tpu.memory_space<vmem>>
      %dma_start3A_329 = tpu.memref_squeeze %dma_start3A_328 : memref<1x1x64xf32, #tpu.memory_space<vmem>> -> memref<64xf32, #tpu.memory_space<vmem>>
      %dma_start3A_330 = arith.constant 0 : i32
      %dma_start3A_331 = tpu.memref_slice %arg3[%squeeze3A_317, %squeeze3A_319, %dma_start3A_330] : memref<12500x8x64xf32, #tpu.memory_space<hbm>> -> memref<1x1x64xf32, #tpu.memory_space<hbm>>
      %dma_start3A_332 = tpu.memref_squeeze %dma_start3A_331 : memref<1x1x64xf32, #tpu.memory_space<hbm>> -> memref<64xf32, #tpu.memory_space<hbm>>
      %dma_start3A_333 = arith.constant 0 : i32
      %dma_start3A_334 = tpu.memref_slice %arg6[%dma_start3A_326, %add3A_325, %dma_start3A_333] : memref<2x256x128xf32, #tpu.memory_space<vmem>> -> memref<1x1x64xf32, #tpu.memory_space<vmem>>
      %dma_start3A_335 = tpu.memref_squeeze %dma_start3A_334 : memref<1x1x64xf32, #tpu.memory_space<vmem>> -> memref<64xf32, #tpu.memory_space<vmem>>
      %dma_start3A_336 = arith.constant 0 : i32
      %dma_start3A_337 = tpu.memref_slice %arg3[%squeeze3A_317, %squeeze3A_319, %dma_start3A_336] : memref<12500x8x64xf32, #tpu.memory_space<hbm>> -> memref<1x1x64xf32, #tpu.memory_space<hbm>>
      %dma_start3A_338 = tpu.memref_squeeze %dma_start3A_337 : memref<1x1x64xf32, #tpu.memory_space<hbm>> -> memref<64xf32, #tpu.memory_space<hbm>>
      tpu.enqueue_dma source(%dma_start3A_338 : memref<64xf32, #tpu.memory_space<hbm>>) target(%dma_start3A_335 : memref<64xf32, #tpu.memory_space<vmem>>) target_semaphore(%arg8 : memref<!tpu.dma_semaphore, #tpu.memory_space<semaphore_mem>>)
      %slice3A_339 = vector.extract_strided_slice %shift_right_logical3A_85 {offsets = [11], sizes = [1], strides = [1]} : vector<16xi32> to vector<1xi32>
      %squeeze3A_340 = vector.extract %slice3A_339[0] : i32 from vector<1xi32>
      %slice3A_341 = vector.extract_strided_slice %rem3A_87 {offsets = [11], sizes = [1], strides = [1]} : vector<16xi32> to vector<1xi32>
      %squeeze3A_342 = vector.extract %slice3A_341[0] : i32 from vector<1xi32>
      %rem3A_343 = arith.constant 16 : i32
      %rem3A_344 = arith.remsi %scan3A_80, %rem3A_343 : i32
      %mul3A_345 = arith.constant 16 : i32
      %mul3A_346 = arith.muli %rem3A_344, %mul3A_345 : i32
      %add3A_347 = arith.constant 11 : i32
      %add3A_348 = arith.addi %mul3A_346, %add3A_347 : i32
      %dma_start3A_349 = arith.constant 0 : i32
      %dma_start3A_350 = arith.constant 0 : i32
      %dma_start3A_351 = tpu.memref_slice %arg6[%dma_start3A_349, %add3A_348, %dma_start3A_350] : memref<2x256x128xf32, #tpu.memory_space<vmem>> -> memref<1x1x64xf32, #tpu.memory_space<vmem>>
      %dma_start3A_352 = tpu.memref_squeeze %dma_start3A_351 : memref<1x1x64xf32, #tpu.memory_space<vmem>> -> memref<64xf32, #tpu.memory_space<vmem>>
      %dma_start3A_353 = arith.constant 0 : i32
      %dma_start3A_354 = tpu.memref_slice %arg3[%squeeze3A_340, %squeeze3A_342, %dma_start3A_353] : memref<12500x8x64xf32, #tpu.memory_space<hbm>> -> memref<1x1x64xf32, #tpu.memory_space<hbm>>
      %dma_start3A_355 = tpu.memref_squeeze %dma_start3A_354 : memref<1x1x64xf32, #tpu.memory_space<hbm>> -> memref<64xf32, #tpu.memory_space<hbm>>
      %dma_start3A_356 = arith.constant 0 : i32
      %dma_start3A_357 = tpu.memref_slice %arg6[%dma_start3A_349, %add3A_348, %dma_start3A_356] : memref<2x256x128xf32, #tpu.memory_space<vmem>> -> memref<1x1x64xf32, #tpu.memory_space<vmem>>
      %dma_start3A_358 = tpu.memref_squeeze %dma_start3A_357 : memref<1x1x64xf32, #tpu.memory_space<vmem>> -> memref<64xf32, #tpu.memory_space<vmem>>
      %dma_start3A_359 = arith.constant 0 : i32
      %dma_start3A_360 = tpu.memref_slice %arg3[%squeeze3A_340, %squeeze3A_342, %dma_start3A_359] : memref<12500x8x64xf32, #tpu.memory_space<hbm>> -> memref<1x1x64xf32, #tpu.memory_space<hbm>>
      %dma_start3A_361 = tpu.memref_squeeze %dma_start3A_360 : memref<1x1x64xf32, #tpu.memory_space<hbm>> -> memref<64xf32, #tpu.memory_space<hbm>>
      tpu.enqueue_dma source(%dma_start3A_361 : memref<64xf32, #tpu.memory_space<hbm>>) target(%dma_start3A_358 : memref<64xf32, #tpu.memory_space<vmem>>) target_semaphore(%arg8 : memref<!tpu.dma_semaphore, #tpu.memory_space<semaphore_mem>>)
      %slice3A_362 = vector.extract_strided_slice %shift_right_logical3A_85 {offsets = [12], sizes = [1], strides = [1]} : vector<16xi32> to vector<1xi32>
      %squeeze3A_363 = vector.extract %slice3A_362[0] : i32 from vector<1xi32>
      %slice3A_364 = vector.extract_strided_slice %rem3A_87 {offsets = [12], sizes = [1], strides = [1]} : vector<16xi32> to vector<1xi32>
      %squeeze3A_365 = vector.extract %slice3A_364[0] : i32 from vector<1xi32>
      %rem3A_366 = arith.constant 16 : i32
      %rem3A_367 = arith.remsi %scan3A_80, %rem3A_366 : i32
      %mul3A_368 = arith.constant 16 : i32
      %mul3A_369 = arith.muli %rem3A_367, %mul3A_368 : i32
      %add3A_370 = arith.constant 12 : i32
      %add3A_371 = arith.addi %mul3A_369, %add3A_370 : i32
      %dma_start3A_372 = arith.constant 0 : i32
      %dma_start3A_373 = arith.constant 0 : i32
      %dma_start3A_374 = tpu.memref_slice %arg6[%dma_start3A_372, %add3A_371, %dma_start3A_373] : memref<2x256x128xf32, #tpu.memory_space<vmem>> -> memref<1x1x64xf32, #tpu.memory_space<vmem>>
      %dma_start3A_375 = tpu.memref_squeeze %dma_start3A_374 : memref<1x1x64xf32, #tpu.memory_space<vmem>> -> memref<64xf32, #tpu.memory_space<vmem>>
      %dma_start3A_376 = arith.constant 0 : i32
      %dma_start3A_377 = tpu.memref_slice %arg3[%squeeze3A_363, %squeeze3A_365, %dma_start3A_376] : memref<12500x8x64xf32, #tpu.memory_space<hbm>> -> memref<1x1x64xf32, #tpu.memory_space<hbm>>
      %dma_start3A_378 = tpu.memref_squeeze %dma_start3A_377 : memref<1x1x64xf32, #tpu.memory_space<hbm>> -> memref<64xf32, #tpu.memory_space<hbm>>
      %dma_start3A_379 = arith.constant 0 : i32
      %dma_start3A_380 = tpu.memref_slice %arg6[%dma_start3A_372, %add3A_371, %dma_start3A_379] : memref<2x256x128xf32, #tpu.memory_space<vmem>> -> memref<1x1x64xf32, #tpu.memory_space<vmem>>
      %dma_start3A_381 = tpu.memref_squeeze %dma_start3A_380 : memref<1x1x64xf32, #tpu.memory_space<vmem>> -> memref<64xf32, #tpu.memory_space<vmem>>
      %dma_start3A_382 = arith.constant 0 : i32
      %dma_start3A_383 = tpu.memref_slice %arg3[%squeeze3A_363, %squeeze3A_365, %dma_start3A_382] : memref<12500x8x64xf32, #tpu.memory_space<hbm>> -> memref<1x1x64xf32, #tpu.memory_space<hbm>>
      %dma_start3A_384 = tpu.memref_squeeze %dma_start3A_383 : memref<1x1x64xf32, #tpu.memory_space<hbm>> -> memref<64xf32, #tpu.memory_space<hbm>>
      tpu.enqueue_dma source(%dma_start3A_384 : memref<64xf32, #tpu.memory_space<hbm>>) target(%dma_start3A_381 : memref<64xf32, #tpu.memory_space<vmem>>) target_semaphore(%arg8 : memref<!tpu.dma_semaphore, #tpu.memory_space<semaphore_mem>>)
      %slice3A_385 = vector.extract_strided_slice %shift_right_logical3A_85 {offsets = [13], sizes = [1], strides = [1]} : vector<16xi32> to vector<1xi32>
      %squeeze3A_386 = vector.extract %slice3A_385[0] : i32 from vector<1xi32>
      %slice3A_387 = vector.extract_strided_slice %rem3A_87 {offsets = [13], sizes = [1], strides = [1]} : vector<16xi32> to vector<1xi32>
      %squeeze3A_388 = vector.extract %slice3A_387[0] : i32 from vector<1xi32>
      %rem3A_389 = arith.constant 16 : i32
      %rem3A_390 = arith.remsi %scan3A_80, %rem3A_389 : i32
      %mul3A_391 = arith.constant 16 : i32
      %mul3A_392 = arith.muli %rem3A_390, %mul3A_391 : i32
      %add3A_393 = arith.constant 13 : i32
      %add3A_394 = arith.addi %mul3A_392, %add3A_393 : i32
      %dma_start3A_395 = arith.constant 0 : i32
      %dma_start3A_396 = arith.constant 0 : i32
      %dma_start3A_397 = tpu.memref_slice %arg6[%dma_start3A_395, %add3A_394, %dma_start3A_396] : memref<2x256x128xf32, #tpu.memory_space<vmem>> -> memref<1x1x64xf32, #tpu.memory_space<vmem>>
      %dma_start3A_398 = tpu.memref_squeeze %dma_start3A_397 : memref<1x1x64xf32, #tpu.memory_space<vmem>> -> memref<64xf32, #tpu.memory_space<vmem>>
      %dma_start3A_399 = arith.constant 0 : i32
      %dma_start3A_400 = tpu.memref_slice %arg3[%squeeze3A_386, %squeeze3A_388, %dma_start3A_399] : memref<12500x8x64xf32, #tpu.memory_space<hbm>> -> memref<1x1x64xf32, #tpu.memory_space<hbm>>
      %dma_start3A_401 = tpu.memref_squeeze %dma_start3A_400 : memref<1x1x64xf32, #tpu.memory_space<hbm>> -> memref<64xf32, #tpu.memory_space<hbm>>
      %dma_start3A_402 = arith.constant 0 : i32
      %dma_start3A_403 = tpu.memref_slice %arg6[%dma_start3A_395, %add3A_394, %dma_start3A_402] : memref<2x256x128xf32, #tpu.memory_space<vmem>> -> memref<1x1x64xf32, #tpu.memory_space<vmem>>
      %dma_start3A_404 = tpu.memref_squeeze %dma_start3A_403 : memref<1x1x64xf32, #tpu.memory_space<vmem>> -> memref<64xf32, #tpu.memory_space<vmem>>
      %dma_start3A_405 = arith.constant 0 : i32
      %dma_start3A_406 = tpu.memref_slice %arg3[%squeeze3A_386, %squeeze3A_388, %dma_start3A_405] : memref<12500x8x64xf32, #tpu.memory_space<hbm>> -> memref<1x1x64xf32, #tpu.memory_space<hbm>>
      %dma_start3A_407 = tpu.memref_squeeze %dma_start3A_406 : memref<1x1x64xf32, #tpu.memory_space<hbm>> -> memref<64xf32, #tpu.memory_space<hbm>>
      tpu.enqueue_dma source(%dma_start3A_407 : memref<64xf32, #tpu.memory_space<hbm>>) target(%dma_start3A_404 : memref<64xf32, #tpu.memory_space<vmem>>) target_semaphore(%arg8 : memref<!tpu.dma_semaphore, #tpu.memory_space<semaphore_mem>>)
      %slice3A_408 = vector.extract_strided_slice %shift_right_logical3A_85 {offsets = [14], sizes = [1], strides = [1]} : vector<16xi32> to vector<1xi32>
      %squeeze3A_409 = vector.extract %slice3A_408[0] : i32 from vector<1xi32>
      %slice3A_410 = vector.extract_strided_slice %rem3A_87 {offsets = [14], sizes = [1], strides = [1]} : vector<16xi32> to vector<1xi32>
      %squeeze3A_411 = vector.extract %slice3A_410[0] : i32 from vector<1xi32>
      %rem3A_412 = arith.constant 16 : i32
      %rem3A_413 = arith.remsi %scan3A_80, %rem3A_412 : i32
      %mul3A_414 = arith.constant 16 : i32
      %mul3A_415 = arith.muli %rem3A_413, %mul3A_414 : i32
      %add3A_416 = arith.constant 14 : i32
      %add3A_417 = arith.addi %mul3A_415, %add3A_416 : i32
      %dma_start3A_418 = arith.constant 0 : i32
      %dma_start3A_419 = arith.constant 0 : i32
      %dma_start3A_420 = tpu.memref_slice %arg6[%dma_start3A_418, %add3A_417, %dma_start3A_419] : memref<2x256x128xf32, #tpu.memory_space<vmem>> -> memref<1x1x64xf32, #tpu.memory_space<vmem>>
      %dma_start3A_421 = tpu.memref_squeeze %dma_start3A_420 : memref<1x1x64xf32, #tpu.memory_space<vmem>> -> memref<64xf32, #tpu.memory_space<vmem>>
      %dma_start3A_422 = arith.constant 0 : i32
      %dma_start3A_423 = tpu.memref_slice %arg3[%squeeze3A_409, %squeeze3A_411, %dma_start3A_422] : memref<12500x8x64xf32, #tpu.memory_space<hbm>> -> memref<1x1x64xf32, #tpu.memory_space<hbm>>
      %dma_start3A_424 = tpu.memref_squeeze %dma_start3A_423 : memref<1x1x64xf32, #tpu.memory_space<hbm>> -> memref<64xf32, #tpu.memory_space<hbm>>
      %dma_start3A_425 = arith.constant 0 : i32
      %dma_start3A_426 = tpu.memref_slice %arg6[%dma_start3A_418, %add3A_417, %dma_start3A_425] : memref<2x256x128xf32, #tpu.memory_space<vmem>> -> memref<1x1x64xf32, #tpu.memory_space<vmem>>
      %dma_start3A_427 = tpu.memref_squeeze %dma_start3A_426 : memref<1x1x64xf32, #tpu.memory_space<vmem>> -> memref<64xf32, #tpu.memory_space<vmem>>
      %dma_start3A_428 = arith.constant 0 : i32
      %dma_start3A_429 = tpu.memref_slice %arg3[%squeeze3A_409, %squeeze3A_411, %dma_start3A_428] : memref<12500x8x64xf32, #tpu.memory_space<hbm>> -> memref<1x1x64xf32, #tpu.memory_space<hbm>>
      %dma_start3A_430 = tpu.memref_squeeze %dma_start3A_429 : memref<1x1x64xf32, #tpu.memory_space<hbm>> -> memref<64xf32, #tpu.memory_space<hbm>>
      tpu.enqueue_dma source(%dma_start3A_430 : memref<64xf32, #tpu.memory_space<hbm>>) target(%dma_start3A_427 : memref<64xf32, #tpu.memory_space<vmem>>) target_semaphore(%arg8 : memref<!tpu.dma_semaphore, #tpu.memory_space<semaphore_mem>>)
      %slice3A_431 = vector.extract_strided_slice %shift_right_logical3A_85 {offsets = [15], sizes = [1], strides = [1]} : vector<16xi32> to vector<1xi32>
      %squeeze3A_432 = vector.extract %slice3A_431[0] : i32 from vector<1xi32>
      %slice3A_433 = vector.extract_strided_slice %rem3A_87 {offsets = [15], sizes = [1], strides = [1]} : vector<16xi32> to vector<1xi32>
      %squeeze3A_434 = vector.extract %slice3A_433[0] : i32 from vector<1xi32>
      %rem3A_435 = arith.constant 16 : i32
      %rem3A_436 = arith.remsi %scan3A_80, %rem3A_435 : i32
      %mul3A_437 = arith.constant 16 : i32
      %mul3A_438 = arith.muli %rem3A_436, %mul3A_437 : i32
      %add3A_439 = arith.constant 15 : i32
      %add3A_440 = arith.addi %mul3A_438, %add3A_439 : i32
      %dma_start3A_441 = arith.constant 0 : i32
      %dma_start3A_442 = arith.constant 0 : i32
      %dma_start3A_443 = tpu.memref_slice %arg6[%dma_start3A_441, %add3A_440, %dma_start3A_442] : memref<2x256x128xf32, #tpu.memory_space<vmem>> -> memref<1x1x64xf32, #tpu.memory_space<vmem>>
      %dma_start3A_444 = tpu.memref_squeeze %dma_start3A_443 : memref<1x1x64xf32, #tpu.memory_space<vmem>> -> memref<64xf32, #tpu.memory_space<vmem>>
      %dma_start3A_445 = arith.constant 0 : i32
      %dma_start3A_446 = tpu.memref_slice %arg3[%squeeze3A_432, %squeeze3A_434, %dma_start3A_445] : memref<12500x8x64xf32, #tpu.memory_space<hbm>> -> memref<1x1x64xf32, #tpu.memory_space<hbm>>
      %dma_start3A_447 = tpu.memref_squeeze %dma_start3A_446 : memref<1x1x64xf32, #tpu.memory_space<hbm>> -> memref<64xf32, #tpu.memory_space<hbm>>
      %dma_start3A_448 = arith.constant 0 : i32
      %dma_start3A_449 = tpu.memref_slice %arg6[%dma_start3A_441, %add3A_440, %dma_start3A_448] : memref<2x256x128xf32, #tpu.memory_space<vmem>> -> memref<1x1x64xf32, #tpu.memory_space<vmem>>
      %dma_start3A_450 = tpu.memref_squeeze %dma_start3A_449 : memref<1x1x64xf32, #tpu.memory_space<vmem>> -> memref<64xf32, #tpu.memory_space<vmem>>
      %dma_start3A_451 = arith.constant 0 : i32
      %dma_start3A_452 = tpu.memref_slice %arg3[%squeeze3A_432, %squeeze3A_434, %dma_start3A_451] : memref<12500x8x64xf32, #tpu.memory_space<hbm>> -> memref<1x1x64xf32, #tpu.memory_space<hbm>>
      %dma_start3A_453 = tpu.memref_squeeze %dma_start3A_452 : memref<1x1x64xf32, #tpu.memory_space<hbm>> -> memref<64xf32, #tpu.memory_space<hbm>>
      tpu.enqueue_dma source(%dma_start3A_453 : memref<64xf32, #tpu.memory_space<hbm>>) target(%dma_start3A_450 : memref<64xf32, #tpu.memory_space<vmem>>) target_semaphore(%arg8 : memref<!tpu.dma_semaphore, #tpu.memory_space<semaphore_mem>>)
    }
    %scan3A_7 = arith.constant 16 : i32
    %scan3A_8 = arith.constant 0 : i32
    %scan3A_9 = arith.constant 16 : i32
    %scan3A_10 = arith.constant 16 : i32
    %scan3A_11 = arith.addi %scan3A_9, %scan3A_10 : i32
    %scan3A_12 = arith.constant 1 : i32
    scf.for %scan3A_80 = %scan3A_9 to %scan3A_11 step %scan3A_12  : i32 {
      %mul3A_81 = arith.constant 16 : i32
      %mul3A_82 = arith.muli %scan3A_80, %mul3A_81 : i32
      %get3A = arith.index_cast %mul3A_82 : i32 to index
      %get3A_83 = tpu.vector_load %arg5[%get3A] {strides = array<i32>} : memref<512xi32, #tpu.memory_space<vmem>>, vector<16xi32>,
      %shift_right_logical3A = arith.constant 3 : i32
      %shift_right_logical3A_84 = vector.broadcast %shift_right_logical3A : i32 to vector<16xi32>
      %shift_right_logical3A_85 = arith.shrui %get3A_83, %shift_right_logical3A_84 : vector<16xi32>
      %rem3A = arith.constant 8 : i32
      %rem3A_86 = vector.broadcast %rem3A : i32 to vector<16xi32>
      %rem3A_87 = arith.remsi %get3A_83, %rem3A_86 : vector<16xi32>
      %slice3A = vector.extract_strided_slice %shift_right_logical3A_85 {offsets = [0], sizes = [1], strides = [1]} : vector<16xi32> to vector<1xi32>
      %squeeze3A = vector.extract %slice3A[0] : i32 from vector<1xi32>
      %slice3A_88 = vector.extract_strided_slice %rem3A_87 {offsets = [0], sizes = [1], strides = [1]} : vector<16xi32> to vector<1xi32>
      %squeeze3A_89 = vector.extract %slice3A_88[0] : i32 from vector<1xi32>
      %rem3A_90 = arith.constant 16 : i32
      %rem3A_91 = arith.remsi %scan3A_80, %rem3A_90 : i32
      %mul3A_92 = arith.constant 16 : i32
      %mul3A_93 = arith.muli %rem3A_91, %mul3A_92 : i32
      %add3A_94 = arith.constant 0 : i32
      %add3A_95 = arith.addi %mul3A_93, %add3A_94 : i32
      %dma_start3A_96 = arith.constant 1 : i32
      %dma_start3A_97 = arith.constant 0 : i32
      %dma_start3A_98 = tpu.memref_slice %arg6[%dma_start3A_96, %add3A_95, %dma_start3A_97] : memref<2x256x128xf32, #tpu.memory_space<vmem>> -> memref<1x1x64xf32, #tpu.memory_space<vmem>>
      %dma_start3A_99 = tpu.memref_squeeze %dma_start3A_98 : memref<1x1x64xf32, #tpu.memory_space<vmem>> -> memref<64xf32, #tpu.memory_space<vmem>>
      %dma_start3A_100 = arith.constant 0 : i32
      %dma_start3A_101 = tpu.memref_slice %arg3[%squeeze3A, %squeeze3A_89, %dma_start3A_100] : memref<12500x8x64xf32, #tpu.memory_space<hbm>> -> memref<1x1x64xf32, #tpu.memory_space<hbm>>
      %dma_start3A_102 = tpu.memref_squeeze %dma_start3A_101 : memref<1x1x64xf32, #tpu.memory_space<hbm>> -> memref<64xf32, #tpu.memory_space<hbm>>
      %dma_start3A_103 = arith.constant 0 : i32
      %dma_start3A_104 = tpu.memref_slice %arg6[%dma_start3A_96, %add3A_95, %dma_start3A_103] : memref<2x256x128xf32, #tpu.memory_space<vmem>> -> memref<1x1x64xf32, #tpu.memory_space<vmem>>
      %dma_start3A_105 = tpu.memref_squeeze %dma_start3A_104 : memref<1x1x64xf32, #tpu.memory_space<vmem>> -> memref<64xf32, #tpu.memory_space<vmem>>
      %dma_start3A_106 = arith.constant 0 : i32
      %dma_start3A_107 = tpu.memref_slice %arg3[%squeeze3A, %squeeze3A_89, %dma_start3A_106] : memref<12500x8x64xf32, #tpu.memory_space<hbm>> -> memref<1x1x64xf32, #tpu.memory_space<hbm>>
      %dma_start3A_108 = tpu.memref_squeeze %dma_start3A_107 : memref<1x1x64xf32, #tpu.memory_space<hbm>> -> memref<64xf32, #tpu.memory_space<hbm>>
      tpu.enqueue_dma source(%dma_start3A_108 : memref<64xf32, #tpu.memory_space<hbm>>) target(%dma_start3A_105 : memref<64xf32, #tpu.memory_space<vmem>>) target_semaphore(%arg9 : memref<!tpu.dma_semaphore, #tpu.memory_space<semaphore_mem>>)
      %slice3A_109 = vector.extract_strided_slice %shift_right_logical3A_85 {offsets = [1], sizes = [1], strides = [1]} : vector<16xi32> to vector<1xi32>
      %squeeze3A_110 = vector.extract %slice3A_109[0] : i32 from vector<1xi32>
      %slice3A_111 = vector.extract_strided_slice %rem3A_87 {offsets = [1], sizes = [1], strides = [1]} : vector<16xi32> to vector<1xi32>
      %squeeze3A_112 = vector.extract %slice3A_111[0] : i32 from vector<1xi32>
      %rem3A_113 = arith.constant 16 : i32
      %rem3A_114 = arith.remsi %scan3A_80, %rem3A_113 : i32
      %mul3A_115 = arith.constant 16 : i32
      %mul3A_116 = arith.muli %rem3A_114, %mul3A_115 : i32
      %add3A_117 = arith.constant 1 : i32
      %add3A_118 = arith.addi %mul3A_116, %add3A_117 : i32
      %dma_start3A_119 = arith.constant 1 : i32
      %dma_start3A_120 = arith.constant 0 : i32
      %dma_start3A_121 = tpu.memref_slice %arg6[%dma_start3A_119, %add3A_118, %dma_start3A_120] : memref<2x256x128xf32, #tpu.memory_space<vmem>> -> memref<1x1x64xf32, #tpu.memory_space<vmem>>
      %dma_start3A_122 = tpu.memref_squeeze %dma_start3A_121 : memref<1x1x64xf32, #tpu.memory_space<vmem>> -> memref<64xf32, #tpu.memory_space<vmem>>
      %dma_start3A_123 = arith.constant 0 : i32
      %dma_start3A_124 = tpu.memref_slice %arg3[%squeeze3A_110, %squeeze3A_112, %dma_start3A_123] : memref<12500x8x64xf32, #tpu.memory_space<hbm>> -> memref<1x1x64xf32, #tpu.memory_space<hbm>>
      %dma_start3A_125 = tpu.memref_squeeze %dma_start3A_124 : memref<1x1x64xf32, #tpu.memory_space<hbm>> -> memref<64xf32, #tpu.memory_space<hbm>>
      %dma_start3A_126 = arith.constant 0 : i32
      %dma_start3A_127 = tpu.memref_slice %arg6[%dma_start3A_119, %add3A_118, %dma_start3A_126] : memref<2x256x128xf32, #tpu.memory_space<vmem>> -> memref<1x1x64xf32, #tpu.memory_space<vmem>>
      %dma_start3A_128 = tpu.memref_squeeze %dma_start3A_127 : memref<1x1x64xf32, #tpu.memory_space<vmem>> -> memref<64xf32, #tpu.memory_space<vmem>>
      %dma_start3A_129 = arith.constant 0 : i32
      %dma_start3A_130 = tpu.memref_slice %arg3[%squeeze3A_110, %squeeze3A_112, %dma_start3A_129] : memref<12500x8x64xf32, #tpu.memory_space<hbm>> -> memref<1x1x64xf32, #tpu.memory_space<hbm>>
      %dma_start3A_131 = tpu.memref_squeeze %dma_start3A_130 : memref<1x1x64xf32, #tpu.memory_space<hbm>> -> memref<64xf32, #tpu.memory_space<hbm>>
      tpu.enqueue_dma source(%dma_start3A_131 : memref<64xf32, #tpu.memory_space<hbm>>) target(%dma_start3A_128 : memref<64xf32, #tpu.memory_space<vmem>>) target_semaphore(%arg9 : memref<!tpu.dma_semaphore, #tpu.memory_space<semaphore_mem>>)
      %slice3A_132 = vector.extract_strided_slice %shift_right_logical3A_85 {offsets = [2], sizes = [1], strides = [1]} : vector<16xi32> to vector<1xi32>
      %squeeze3A_133 = vector.extract %slice3A_132[0] : i32 from vector<1xi32>
      %slice3A_134 = vector.extract_strided_slice %rem3A_87 {offsets = [2], sizes = [1], strides = [1]} : vector<16xi32> to vector<1xi32>
      %squeeze3A_135 = vector.extract %slice3A_134[0] : i32 from vector<1xi32>
      %rem3A_136 = arith.constant 16 : i32
      %rem3A_137 = arith.remsi %scan3A_80, %rem3A_136 : i32
      %mul3A_138 = arith.constant 16 : i32
      %mul3A_139 = arith.muli %rem3A_137, %mul3A_138 : i32
      %add3A_140 = arith.constant 2 : i32
      %add3A_141 = arith.addi %mul3A_139, %add3A_140 : i32
      %dma_start3A_142 = arith.constant 1 : i32
      %dma_start3A_143 = arith.constant 0 : i32
      %dma_start3A_144 = tpu.memref_slice %arg6[%dma_start3A_142, %add3A_141, %dma_start3A_143] : memref<2x256x128xf32, #tpu.memory_space<vmem>> -> memref<1x1x64xf32, #tpu.memory_space<vmem>>
      %dma_start3A_145 = tpu.memref_squeeze %dma_start3A_144 : memref<1x1x64xf32, #tpu.memory_space<vmem>> -> memref<64xf32, #tpu.memory_space<vmem>>
      %dma_start3A_146 = arith.constant 0 : i32
      %dma_start3A_147 = tpu.memref_slice %arg3[%squeeze3A_133, %squeeze3A_135, %dma_start3A_146] : memref<12500x8x64xf32, #tpu.memory_space<hbm>> -> memref<1x1x64xf32, #tpu.memory_space<hbm>>
      %dma_start3A_148 = tpu.memref_squeeze %dma_start3A_147 : memref<1x1x64xf32, #tpu.memory_space<hbm>> -> memref<64xf32, #tpu.memory_space<hbm>>
      %dma_start3A_149 = arith.constant 0 : i32
      %dma_start3A_150 = tpu.memref_slice %arg6[%dma_start3A_142, %add3A_141, %dma_start3A_149] : memref<2x256x128xf32, #tpu.memory_space<vmem>> -> memref<1x1x64xf32, #tpu.memory_space<vmem>>
      %dma_start3A_151 = tpu.memref_squeeze %dma_start3A_150 : memref<1x1x64xf32, #tpu.memory_space<vmem>> -> memref<64xf32, #tpu.memory_space<vmem>>
      %dma_start3A_152 = arith.constant 0 : i32
      %dma_start3A_153 = tpu.memref_slice %arg3[%squeeze3A_133, %squeeze3A_135, %dma_start3A_152] : memref<12500x8x64xf32, #tpu.memory_space<hbm>> -> memref<1x1x64xf32, #tpu.memory_space<hbm>>
      %dma_start3A_154 = tpu.memref_squeeze %dma_start3A_153 : memref<1x1x64xf32, #tpu.memory_space<hbm>> -> memref<64xf32, #tpu.memory_space<hbm>>
      tpu.enqueue_dma source(%dma_start3A_154 : memref<64xf32, #tpu.memory_space<hbm>>) target(%dma_start3A_151 : memref<64xf32, #tpu.memory_space<vmem>>) target_semaphore(%arg9 : memref<!tpu.dma_semaphore, #tpu.memory_space<semaphore_mem>>)
      %slice3A_155 = vector.extract_strided_slice %shift_right_logical3A_85 {offsets = [3], sizes = [1], strides = [1]} : vector<16xi32> to vector<1xi32>
      %squeeze3A_156 = vector.extract %slice3A_155[0] : i32 from vector<1xi32>
      %slice3A_157 = vector.extract_strided_slice %rem3A_87 {offsets = [3], sizes = [1], strides = [1]} : vector<16xi32> to vector<1xi32>
      %squeeze3A_158 = vector.extract %slice3A_157[0] : i32 from vector<1xi32>
      %rem3A_159 = arith.constant 16 : i32
      %rem3A_160 = arith.remsi %scan3A_80, %rem3A_159 : i32
      %mul3A_161 = arith.constant 16 : i32
      %mul3A_162 = arith.muli %rem3A_160, %mul3A_161 : i32
      %add3A_163 = arith.constant 3 : i32
      %add3A_164 = arith.addi %mul3A_162, %add3A_163 : i32
      %dma_start3A_165 = arith.constant 1 : i32
      %dma_start3A_166 = arith.constant 0 : i32
      %dma_start3A_167 = tpu.memref_slice %arg6[%dma_start3A_165, %add3A_164, %dma_start3A_166] : memref<2x256x128xf32, #tpu.memory_space<vmem>> -> memref<1x1x64xf32, #tpu.memory_space<vmem>>
      %dma_start3A_168 = tpu.memref_squeeze %dma_start3A_167 : memref<1x1x64xf32, #tpu.memory_space<vmem>> -> memref<64xf32, #tpu.memory_space<vmem>>
      %dma_start3A_169 = arith.constant 0 : i32
      %dma_start3A_170 = tpu.memref_slice %arg3[%squeeze3A_156, %squeeze3A_158, %dma_start3A_169] : memref<12500x8x64xf32, #tpu.memory_space<hbm>> -> memref<1x1x64xf32, #tpu.memory_space<hbm>>
      %dma_start3A_171 = tpu.memref_squeeze %dma_start3A_170 : memref<1x1x64xf32, #tpu.memory_space<hbm>> -> memref<64xf32, #tpu.memory_space<hbm>>
      %dma_start3A_172 = arith.constant 0 : i32
      %dma_start3A_173 = tpu.memref_slice %arg6[%dma_start3A_165, %add3A_164, %dma_start3A_172] : memref<2x256x128xf32, #tpu.memory_space<vmem>> -> memref<1x1x64xf32, #tpu.memory_space<vmem>>
      %dma_start3A_174 = tpu.memref_squeeze %dma_start3A_173 : memref<1x1x64xf32, #tpu.memory_space<vmem>> -> memref<64xf32, #tpu.memory_space<vmem>>
      %dma_start3A_175 = arith.constant 0 : i32
      %dma_start3A_176 = tpu.memref_slice %arg3[%squeeze3A_156, %squeeze3A_158, %dma_start3A_175] : memref<12500x8x64xf32, #tpu.memory_space<hbm>> -> memref<1x1x64xf32, #tpu.memory_space<hbm>>
      %dma_start3A_177 = tpu.memref_squeeze %dma_start3A_176 : memref<1x1x64xf32, #tpu.memory_space<hbm>> -> memref<64xf32, #tpu.memory_space<hbm>>
      tpu.enqueue_dma source(%dma_start3A_177 : memref<64xf32, #tpu.memory_space<hbm>>) target(%dma_start3A_174 : memref<64xf32, #tpu.memory_space<vmem>>) target_semaphore(%arg9 : memref<!tpu.dma_semaphore, #tpu.memory_space<semaphore_mem>>)
      %slice3A_178 = vector.extract_strided_slice %shift_right_logical3A_85 {offsets = [4], sizes = [1], strides = [1]} : vector<16xi32> to vector<1xi32>
      %squeeze3A_179 = vector.extract %slice3A_178[0] : i32 from vector<1xi32>
      %slice3A_180 = vector.extract_strided_slice %rem3A_87 {offsets = [4], sizes = [1], strides = [1]} : vector<16xi32> to vector<1xi32>
      %squeeze3A_181 = vector.extract %slice3A_180[0] : i32 from vector<1xi32>
      %rem3A_182 = arith.constant 16 : i32
      %rem3A_183 = arith.remsi %scan3A_80, %rem3A_182 : i32
      %mul3A_184 = arith.constant 16 : i32
      %mul3A_185 = arith.muli %rem3A_183, %mul3A_184 : i32
      %add3A_186 = arith.constant 4 : i32
      %add3A_187 = arith.addi %mul3A_185, %add3A_186 : i32
      %dma_start3A_188 = arith.constant 1 : i32
      %dma_start3A_189 = arith.constant 0 : i32
      %dma_start3A_190 = tpu.memref_slice %arg6[%dma_start3A_188, %add3A_187, %dma_start3A_189] : memref<2x256x128xf32, #tpu.memory_space<vmem>> -> memref<1x1x64xf32, #tpu.memory_space<vmem>>
      %dma_start3A_191 = tpu.memref_squeeze %dma_start3A_190 : memref<1x1x64xf32, #tpu.memory_space<vmem>> -> memref<64xf32, #tpu.memory_space<vmem>>
      %dma_start3A_192 = arith.constant 0 : i32
      %dma_start3A_193 = tpu.memref_slice %arg3[%squeeze3A_179, %squeeze3A_181, %dma_start3A_192] : memref<12500x8x64xf32, #tpu.memory_space<hbm>> -> memref<1x1x64xf32, #tpu.memory_space<hbm>>
      %dma_start3A_194 = tpu.memref_squeeze %dma_start3A_193 : memref<1x1x64xf32, #tpu.memory_space<hbm>> -> memref<64xf32, #tpu.memory_space<hbm>>
      %dma_start3A_195 = arith.constant 0 : i32
      %dma_start3A_196 = tpu.memref_slice %arg6[%dma_start3A_188, %add3A_187, %dma_start3A_195] : memref<2x256x128xf32, #tpu.memory_space<vmem>> -> memref<1x1x64xf32, #tpu.memory_space<vmem>>
      %dma_start3A_197 = tpu.memref_squeeze %dma_start3A_196 : memref<1x1x64xf32, #tpu.memory_space<vmem>> -> memref<64xf32, #tpu.memory_space<vmem>>
      %dma_start3A_198 = arith.constant 0 : i32
      %dma_start3A_199 = tpu.memref_slice %arg3[%squeeze3A_179, %squeeze3A_181, %dma_start3A_198] : memref<12500x8x64xf32, #tpu.memory_space<hbm>> -> memref<1x1x64xf32, #tpu.memory_space<hbm>>
      %dma_start3A_200 = tpu.memref_squeeze %dma_start3A_199 : memref<1x1x64xf32, #tpu.memory_space<hbm>> -> memref<64xf32, #tpu.memory_space<hbm>>
      tpu.enqueue_dma source(%dma_start3A_200 : memref<64xf32, #tpu.memory_space<hbm>>) target(%dma_start3A_197 : memref<64xf32, #tpu.memory_space<vmem>>) target_semaphore(%arg9 : memref<!tpu.dma_semaphore, #tpu.memory_space<semaphore_mem>>)
      %slice3A_201 = vector.extract_strided_slice %shift_right_logical3A_85 {offsets = [5], sizes = [1], strides = [1]} : vector<16xi32> to vector<1xi32>
      %squeeze3A_202 = vector.extract %slice3A_201[0] : i32 from vector<1xi32>
      %slice3A_203 = vector.extract_strided_slice %rem3A_87 {offsets = [5], sizes = [1], strides = [1]} : vector<16xi32> to vector<1xi32>
      %squeeze3A_204 = vector.extract %slice3A_203[0] : i32 from vector<1xi32>
      %rem3A_205 = arith.constant 16 : i32
      %rem3A_206 = arith.remsi %scan3A_80, %rem3A_205 : i32
      %mul3A_207 = arith.constant 16 : i32
      %mul3A_208 = arith.muli %rem3A_206, %mul3A_207 : i32
      %add3A_209 = arith.constant 5 : i32
      %add3A_210 = arith.addi %mul3A_208, %add3A_209 : i32
      %dma_start3A_211 = arith.constant 1 : i32
      %dma_start3A_212 = arith.constant 0 : i32
      %dma_start3A_213 = tpu.memref_slice %arg6[%dma_start3A_211, %add3A_210, %dma_start3A_212] : memref<2x256x128xf32, #tpu.memory_space<vmem>> -> memref<1x1x64xf32, #tpu.memory_space<vmem>>
      %dma_start3A_214 = tpu.memref_squeeze %dma_start3A_213 : memref<1x1x64xf32, #tpu.memory_space<vmem>> -> memref<64xf32, #tpu.memory_space<vmem>>
      %dma_start3A_215 = arith.constant 0 : i32
      %dma_start3A_216 = tpu.memref_slice %arg3[%squeeze3A_202, %squeeze3A_204, %dma_start3A_215] : memref<12500x8x64xf32, #tpu.memory_space<hbm>> -> memref<1x1x64xf32, #tpu.memory_space<hbm>>
      %dma_start3A_217 = tpu.memref_squeeze %dma_start3A_216 : memref<1x1x64xf32, #tpu.memory_space<hbm>> -> memref<64xf32, #tpu.memory_space<hbm>>
      %dma_start3A_218 = arith.constant 0 : i32
      %dma_start3A_219 = tpu.memref_slice %arg6[%dma_start3A_211, %add3A_210, %dma_start3A_218] : memref<2x256x128xf32, #tpu.memory_space<vmem>> -> memref<1x1x64xf32, #tpu.memory_space<vmem>>
      %dma_start3A_220 = tpu.memref_squeeze %dma_start3A_219 : memref<1x1x64xf32, #tpu.memory_space<vmem>> -> memref<64xf32, #tpu.memory_space<vmem>>
      %dma_start3A_221 = arith.constant 0 : i32
      %dma_start3A_222 = tpu.memref_slice %arg3[%squeeze3A_202, %squeeze3A_204, %dma_start3A_221] : memref<12500x8x64xf32, #tpu.memory_space<hbm>> -> memref<1x1x64xf32, #tpu.memory_space<hbm>>
      %dma_start3A_223 = tpu.memref_squeeze %dma_start3A_222 : memref<1x1x64xf32, #tpu.memory_space<hbm>> -> memref<64xf32, #tpu.memory_space<hbm>>
      tpu.enqueue_dma source(%dma_start3A_223 : memref<64xf32, #tpu.memory_space<hbm>>) target(%dma_start3A_220 : memref<64xf32, #tpu.memory_space<vmem>>) target_semaphore(%arg9 : memref<!tpu.dma_semaphore, #tpu.memory_space<semaphore_mem>>)
      %slice3A_224 = vector.extract_strided_slice %shift_right_logical3A_85 {offsets = [6], sizes = [1], strides = [1]} : vector<16xi32> to vector<1xi32>
      %squeeze3A_225 = vector.extract %slice3A_224[0] : i32 from vector<1xi32>
      %slice3A_226 = vector.extract_strided_slice %rem3A_87 {offsets = [6], sizes = [1], strides = [1]} : vector<16xi32> to vector<1xi32>
      %squeeze3A_227 = vector.extract %slice3A_226[0] : i32 from vector<1xi32>
      %rem3A_228 = arith.constant 16 : i32
      %rem3A_229 = arith.remsi %scan3A_80, %rem3A_228 : i32
      %mul3A_230 = arith.constant 16 : i32
      %mul3A_231 = arith.muli %rem3A_229, %mul3A_230 : i32
      %add3A_232 = arith.constant 6 : i32
      %add3A_233 = arith.addi %mul3A_231, %add3A_232 : i32
      %dma_start3A_234 = arith.constant 1 : i32
      %dma_start3A_235 = arith.constant 0 : i32
      %dma_start3A_236 = tpu.memref_slice %arg6[%dma_start3A_234, %add3A_233, %dma_start3A_235] : memref<2x256x128xf32, #tpu.memory_space<vmem>> -> memref<1x1x64xf32, #tpu.memory_space<vmem>>
      %dma_start3A_237 = tpu.memref_squeeze %dma_start3A_236 : memref<1x1x64xf32, #tpu.memory_space<vmem>> -> memref<64xf32, #tpu.memory_space<vmem>>
      %dma_start3A_238 = arith.constant 0 : i32
      %dma_start3A_239 = tpu.memref_slice %arg3[%squeeze3A_225, %squeeze3A_227, %dma_start3A_238] : memref<12500x8x64xf32, #tpu.memory_space<hbm>> -> memref<1x1x64xf32, #tpu.memory_space<hbm>>
      %dma_start3A_240 = tpu.memref_squeeze %dma_start3A_239 : memref<1x1x64xf32, #tpu.memory_space<hbm>> -> memref<64xf32, #tpu.memory_space<hbm>>
      %dma_start3A_241 = arith.constant 0 : i32
      %dma_start3A_242 = tpu.memref_slice %arg6[%dma_start3A_234, %add3A_233, %dma_start3A_241] : memref<2x256x128xf32, #tpu.memory_space<vmem>> -> memref<1x1x64xf32, #tpu.memory_space<vmem>>
      %dma_start3A_243 = tpu.memref_squeeze %dma_start3A_242 : memref<1x1x64xf32, #tpu.memory_space<vmem>> -> memref<64xf32, #tpu.memory_space<vmem>>
      %dma_start3A_244 = arith.constant 0 : i32
      %dma_start3A_245 = tpu.memref_slice %arg3[%squeeze3A_225, %squeeze3A_227, %dma_start3A_244] : memref<12500x8x64xf32, #tpu.memory_space<hbm>> -> memref<1x1x64xf32, #tpu.memory_space<hbm>>
      %dma_start3A_246 = tpu.memref_squeeze %dma_start3A_245 : memref<1x1x64xf32, #tpu.memory_space<hbm>> -> memref<64xf32, #tpu.memory_space<hbm>>
      tpu.enqueue_dma source(%dma_start3A_246 : memref<64xf32, #tpu.memory_space<hbm>>) target(%dma_start3A_243 : memref<64xf32, #tpu.memory_space<vmem>>) target_semaphore(%arg9 : memref<!tpu.dma_semaphore, #tpu.memory_space<semaphore_mem>>)
      %slice3A_247 = vector.extract_strided_slice %shift_right_logical3A_85 {offsets = [7], sizes = [1], strides = [1]} : vector<16xi32> to vector<1xi32>
      %squeeze3A_248 = vector.extract %slice3A_247[0] : i32 from vector<1xi32>
      %slice3A_249 = vector.extract_strided_slice %rem3A_87 {offsets = [7], sizes = [1], strides = [1]} : vector<16xi32> to vector<1xi32>
      %squeeze3A_250 = vector.extract %slice3A_249[0] : i32 from vector<1xi32>
      %rem3A_251 = arith.constant 16 : i32
      %rem3A_252 = arith.remsi %scan3A_80, %rem3A_251 : i32
      %mul3A_253 = arith.constant 16 : i32
      %mul3A_254 = arith.muli %rem3A_252, %mul3A_253 : i32
      %add3A_255 = arith.constant 7 : i32
      %add3A_256 = arith.addi %mul3A_254, %add3A_255 : i32
      %dma_start3A_257 = arith.constant 1 : i32
      %dma_start3A_258 = arith.constant 0 : i32
      %dma_start3A_259 = tpu.memref_slice %arg6[%dma_start3A_257, %add3A_256, %dma_start3A_258] : memref<2x256x128xf32, #tpu.memory_space<vmem>> -> memref<1x1x64xf32, #tpu.memory_space<vmem>>
      %dma_start3A_260 = tpu.memref_squeeze %dma_start3A_259 : memref<1x1x64xf32, #tpu.memory_space<vmem>> -> memref<64xf32, #tpu.memory_space<vmem>>
      %dma_start3A_261 = arith.constant 0 : i32
      %dma_start3A_262 = tpu.memref_slice %arg3[%squeeze3A_248, %squeeze3A_250, %dma_start3A_261] : memref<12500x8x64xf32, #tpu.memory_space<hbm>> -> memref<1x1x64xf32, #tpu.memory_space<hbm>>
      %dma_start3A_263 = tpu.memref_squeeze %dma_start3A_262 : memref<1x1x64xf32, #tpu.memory_space<hbm>> -> memref<64xf32, #tpu.memory_space<hbm>>
      %dma_start3A_264 = arith.constant 0 : i32
      %dma_start3A_265 = tpu.memref_slice %arg6[%dma_start3A_257, %add3A_256, %dma_start3A_264] : memref<2x256x128xf32, #tpu.memory_space<vmem>> -> memref<1x1x64xf32, #tpu.memory_space<vmem>>
      %dma_start3A_266 = tpu.memref_squeeze %dma_start3A_265 : memref<1x1x64xf32, #tpu.memory_space<vmem>> -> memref<64xf32, #tpu.memory_space<vmem>>
      %dma_start3A_267 = arith.constant 0 : i32
      %dma_start3A_268 = tpu.memref_slice %arg3[%squeeze3A_248, %squeeze3A_250, %dma_start3A_267] : memref<12500x8x64xf32, #tpu.memory_space<hbm>> -> memref<1x1x64xf32, #tpu.memory_space<hbm>>
      %dma_start3A_269 = tpu.memref_squeeze %dma_start3A_268 : memref<1x1x64xf32, #tpu.memory_space<hbm>> -> memref<64xf32, #tpu.memory_space<hbm>>
      tpu.enqueue_dma source(%dma_start3A_269 : memref<64xf32, #tpu.memory_space<hbm>>) target(%dma_start3A_266 : memref<64xf32, #tpu.memory_space<vmem>>) target_semaphore(%arg9 : memref<!tpu.dma_semaphore, #tpu.memory_space<semaphore_mem>>)
      %slice3A_270 = vector.extract_strided_slice %shift_right_logical3A_85 {offsets = [8], sizes = [1], strides = [1]} : vector<16xi32> to vector<1xi32>
      %squeeze3A_271 = vector.extract %slice3A_270[0] : i32 from vector<1xi32>
      %slice3A_272 = vector.extract_strided_slice %rem3A_87 {offsets = [8], sizes = [1], strides = [1]} : vector<16xi32> to vector<1xi32>
      %squeeze3A_273 = vector.extract %slice3A_272[0] : i32 from vector<1xi32>
      %rem3A_274 = arith.constant 16 : i32
      %rem3A_275 = arith.remsi %scan3A_80, %rem3A_274 : i32
      %mul3A_276 = arith.constant 16 : i32
      %mul3A_277 = arith.muli %rem3A_275, %mul3A_276 : i32
      %add3A_278 = arith.constant 8 : i32
      %add3A_279 = arith.addi %mul3A_277, %add3A_278 : i32
      %dma_start3A_280 = arith.constant 1 : i32
      %dma_start3A_281 = arith.constant 0 : i32
      %dma_start3A_282 = tpu.memref_slice %arg6[%dma_start3A_280, %add3A_279, %dma_start3A_281] : memref<2x256x128xf32, #tpu.memory_space<vmem>> -> memref<1x1x64xf32, #tpu.memory_space<vmem>>
      %dma_start3A_283 = tpu.memref_squeeze %dma_start3A_282 : memref<1x1x64xf32, #tpu.memory_space<vmem>> -> memref<64xf32, #tpu.memory_space<vmem>>
      %dma_start3A_284 = arith.constant 0 : i32
      %dma_start3A_285 = tpu.memref_slice %arg3[%squeeze3A_271, %squeeze3A_273, %dma_start3A_284] : memref<12500x8x64xf32, #tpu.memory_space<hbm>> -> memref<1x1x64xf32, #tpu.memory_space<hbm>>
      %dma_start3A_286 = tpu.memref_squeeze %dma_start3A_285 : memref<1x1x64xf32, #tpu.memory_space<hbm>> -> memref<64xf32, #tpu.memory_space<hbm>>
      %dma_start3A_287 = arith.constant 0 : i32
      %dma_start3A_288 = tpu.memref_slice %arg6[%dma_start3A_280, %add3A_279, %dma_start3A_287] : memref<2x256x128xf32, #tpu.memory_space<vmem>> -> memref<1x1x64xf32, #tpu.memory_space<vmem>>
      %dma_start3A_289 = tpu.memref_squeeze %dma_start3A_288 : memref<1x1x64xf32, #tpu.memory_space<vmem>> -> memref<64xf32, #tpu.memory_space<vmem>>
      %dma_start3A_290 = arith.constant 0 : i32
      %dma_start3A_291 = tpu.memref_slice %arg3[%squeeze3A_271, %squeeze3A_273, %dma_start3A_290] : memref<12500x8x64xf32, #tpu.memory_space<hbm>> -> memref<1x1x64xf32, #tpu.memory_space<hbm>>
      %dma_start3A_292 = tpu.memref_squeeze %dma_start3A_291 : memref<1x1x64xf32, #tpu.memory_space<hbm>> -> memref<64xf32, #tpu.memory_space<hbm>>
      tpu.enqueue_dma source(%dma_start3A_292 : memref<64xf32, #tpu.memory_space<hbm>>) target(%dma_start3A_289 : memref<64xf32, #tpu.memory_space<vmem>>) target_semaphore(%arg9 : memref<!tpu.dma_semaphore, #tpu.memory_space<semaphore_mem>>)
      %slice3A_293 = vector.extract_strided_slice %shift_right_logical3A_85 {offsets = [9], sizes = [1], strides = [1]} : vector<16xi32> to vector<1xi32>
      %squeeze3A_294 = vector.extract %slice3A_293[0] : i32 from vector<1xi32>
      %slice3A_295 = vector.extract_strided_slice %rem3A_87 {offsets = [9], sizes = [1], strides = [1]} : vector<16xi32> to vector<1xi32>
      %squeeze3A_296 = vector.extract %slice3A_295[0] : i32 from vector<1xi32>
      %rem3A_297 = arith.constant 16 : i32
      %rem3A_298 = arith.remsi %scan3A_80, %rem3A_297 : i32
      %mul3A_299 = arith.constant 16 : i32
      %mul3A_300 = arith.muli %rem3A_298, %mul3A_299 : i32
      %add3A_301 = arith.constant 9 : i32
      %add3A_302 = arith.addi %mul3A_300, %add3A_301 : i32
      %dma_start3A_303 = arith.constant 1 : i32
      %dma_start3A_304 = arith.constant 0 : i32
      %dma_start3A_305 = tpu.memref_slice %arg6[%dma_start3A_303, %add3A_302, %dma_start3A_304] : memref<2x256x128xf32, #tpu.memory_space<vmem>> -> memref<1x1x64xf32, #tpu.memory_space<vmem>>
      %dma_start3A_306 = tpu.memref_squeeze %dma_start3A_305 : memref<1x1x64xf32, #tpu.memory_space<vmem>> -> memref<64xf32, #tpu.memory_space<vmem>>
      %dma_start3A_307 = arith.constant 0 : i32
      %dma_start3A_308 = tpu.memref_slice %arg3[%squeeze3A_294, %squeeze3A_296, %dma_start3A_307] : memref<12500x8x64xf32, #tpu.memory_space<hbm>> -> memref<1x1x64xf32, #tpu.memory_space<hbm>>
      %dma_start3A_309 = tpu.memref_squeeze %dma_start3A_308 : memref<1x1x64xf32, #tpu.memory_space<hbm>> -> memref<64xf32, #tpu.memory_space<hbm>>
      %dma_start3A_310 = arith.constant 0 : i32
      %dma_start3A_311 = tpu.memref_slice %arg6[%dma_start3A_303, %add3A_302, %dma_start3A_310] : memref<2x256x128xf32, #tpu.memory_space<vmem>> -> memref<1x1x64xf32, #tpu.memory_space<vmem>>
      %dma_start3A_312 = tpu.memref_squeeze %dma_start3A_311 : memref<1x1x64xf32, #tpu.memory_space<vmem>> -> memref<64xf32, #tpu.memory_space<vmem>>
      %dma_start3A_313 = arith.constant 0 : i32
      %dma_start3A_314 = tpu.memref_slice %arg3[%squeeze3A_294, %squeeze3A_296, %dma_start3A_313] : memref<12500x8x64xf32, #tpu.memory_space<hbm>> -> memref<1x1x64xf32, #tpu.memory_space<hbm>>
      %dma_start3A_315 = tpu.memref_squeeze %dma_start3A_314 : memref<1x1x64xf32, #tpu.memory_space<hbm>> -> memref<64xf32, #tpu.memory_space<hbm>>
      tpu.enqueue_dma source(%dma_start3A_315 : memref<64xf32, #tpu.memory_space<hbm>>) target(%dma_start3A_312 : memref<64xf32, #tpu.memory_space<vmem>>) target_semaphore(%arg9 : memref<!tpu.dma_semaphore, #tpu.memory_space<semaphore_mem>>)
      %slice3A_316 = vector.extract_strided_slice %shift_right_logical3A_85 {offsets = [10], sizes = [1], strides = [1]} : vector<16xi32> to vector<1xi32>
      %squeeze3A_317 = vector.extract %slice3A_316[0] : i32 from vector<1xi32>
      %slice3A_318 = vector.extract_strided_slice %rem3A_87 {offsets = [10], sizes = [1], strides = [1]} : vector<16xi32> to vector<1xi32>
      %squeeze3A_319 = vector.extract %slice3A_318[0] : i32 from vector<1xi32>
      %rem3A_320 = arith.constant 16 : i32
      %rem3A_321 = arith.remsi %scan3A_80, %rem3A_320 : i32
      %mul3A_322 = arith.constant 16 : i32
      %mul3A_323 = arith.muli %rem3A_321, %mul3A_322 : i32
      %add3A_324 = arith.constant 10 : i32
      %add3A_325 = arith.addi %mul3A_323, %add3A_324 : i32
      %dma_start3A_326 = arith.constant 1 : i32
      %dma_start3A_327 = arith.constant 0 : i32
      %dma_start3A_328 = tpu.memref_slice %arg6[%dma_start3A_326, %add3A_325, %dma_start3A_327] : memref<2x256x128xf32, #tpu.memory_space<vmem>> -> memref<1x1x64xf32, #tpu.memory_space<vmem>>
      %dma_start3A_329 = tpu.memref_squeeze %dma_start3A_328 : memref<1x1x64xf32, #tpu.memory_space<vmem>> -> memref<64xf32, #tpu.memory_space<vmem>>
      %dma_start3A_330 = arith.constant 0 : i32
      %dma_start3A_331 = tpu.memref_slice %arg3[%squeeze3A_317, %squeeze3A_319, %dma_start3A_330] : memref<12500x8x64xf32, #tpu.memory_space<hbm>> -> memref<1x1x64xf32, #tpu.memory_space<hbm>>
      %dma_start3A_332 = tpu.memref_squeeze %dma_start3A_331 : memref<1x1x64xf32, #tpu.memory_space<hbm>> -> memref<64xf32, #tpu.memory_space<hbm>>
      %dma_start3A_333 = arith.constant 0 : i32
      %dma_start3A_334 = tpu.memref_slice %arg6[%dma_start3A_326, %add3A_325, %dma_start3A_333] : memref<2x256x128xf32, #tpu.memory_space<vmem>> -> memref<1x1x64xf32, #tpu.memory_space<vmem>>
      %dma_start3A_335 = tpu.memref_squeeze %dma_start3A_334 : memref<1x1x64xf32, #tpu.memory_space<vmem>> -> memref<64xf32, #tpu.memory_space<vmem>>
      %dma_start3A_336 = arith.constant 0 : i32
      %dma_start3A_337 = tpu.memref_slice %arg3[%squeeze3A_317, %squeeze3A_319, %dma_start3A_336] : memref<12500x8x64xf32, #tpu.memory_space<hbm>> -> memref<1x1x64xf32, #tpu.memory_space<hbm>>
      %dma_start3A_338 = tpu.memref_squeeze %dma_start3A_337 : memref<1x1x64xf32, #tpu.memory_space<hbm>> -> memref<64xf32, #tpu.memory_space<hbm>>
      tpu.enqueue_dma source(%dma_start3A_338 : memref<64xf32, #tpu.memory_space<hbm>>) target(%dma_start3A_335 : memref<64xf32, #tpu.memory_space<vmem>>) target_semaphore(%arg9 : memref<!tpu.dma_semaphore, #tpu.memory_space<semaphore_mem>>)
      %slice3A_339 = vector.extract_strided_slice %shift_right_logical3A_85 {offsets = [11], sizes = [1], strides = [1]} : vector<16xi32> to vector<1xi32>
      %squeeze3A_340 = vector.extract %slice3A_339[0] : i32 from vector<1xi32>
      %slice3A_341 = vector.extract_strided_slice %rem3A_87 {offsets = [11], sizes = [1], strides = [1]} : vector<16xi32> to vector<1xi32>
      %squeeze3A_342 = vector.extract %slice3A_341[0] : i32 from vector<1xi32>
      %rem3A_343 = arith.constant 16 : i32
      %rem3A_344 = arith.remsi %scan3A_80, %rem3A_343 : i32
      %mul3A_345 = arith.constant 16 : i32
      %mul3A_346 = arith.muli %rem3A_344, %mul3A_345 : i32
      %add3A_347 = arith.constant 11 : i32
      %add3A_348 = arith.addi %mul3A_346, %add3A_347 : i32
      %dma_start3A_349 = arith.constant 1 : i32
      %dma_start3A_350 = arith.constant 0 : i32
      %dma_start3A_351 = tpu.memref_slice %arg6[%dma_start3A_349, %add3A_348, %dma_start3A_350] : memref<2x256x128xf32, #tpu.memory_space<vmem>> -> memref<1x1x64xf32, #tpu.memory_space<vmem>>
      %dma_start3A_352 = tpu.memref_squeeze %dma_start3A_351 : memref<1x1x64xf32, #tpu.memory_space<vmem>> -> memref<64xf32, #tpu.memory_space<vmem>>
      %dma_start3A_353 = arith.constant 0 : i32
      %dma_start3A_354 = tpu.memref_slice %arg3[%squeeze3A_340, %squeeze3A_342, %dma_start3A_353] : memref<12500x8x64xf32, #tpu.memory_space<hbm>> -> memref<1x1x64xf32, #tpu.memory_space<hbm>>
      %dma_start3A_355 = tpu.memref_squeeze %dma_start3A_354 : memref<1x1x64xf32, #tpu.memory_space<hbm>> -> memref<64xf32, #tpu.memory_space<hbm>>
      %dma_start3A_356 = arith.constant 0 : i32
      %dma_start3A_357 = tpu.memref_slice %arg6[%dma_start3A_349, %add3A_348, %dma_start3A_356] : memref<2x256x128xf32, #tpu.memory_space<vmem>> -> memref<1x1x64xf32, #tpu.memory_space<vmem>>
      %dma_start3A_358 = tpu.memref_squeeze %dma_start3A_357 : memref<1x1x64xf32, #tpu.memory_space<vmem>> -> memref<64xf32, #tpu.memory_space<vmem>>
      %dma_start3A_359 = arith.constant 0 : i32
      %dma_start3A_360 = tpu.memref_slice %arg3[%squeeze3A_340, %squeeze3A_342, %dma_start3A_359] : memref<12500x8x64xf32, #tpu.memory_space<hbm>> -> memref<1x1x64xf32, #tpu.memory_space<hbm>>
      %dma_start3A_361 = tpu.memref_squeeze %dma_start3A_360 : memref<1x1x64xf32, #tpu.memory_space<hbm>> -> memref<64xf32, #tpu.memory_space<hbm>>
      tpu.enqueue_dma source(%dma_start3A_361 : memref<64xf32, #tpu.memory_space<hbm>>) target(%dma_start3A_358 : memref<64xf32, #tpu.memory_space<vmem>>) target_semaphore(%arg9 : memref<!tpu.dma_semaphore, #tpu.memory_space<semaphore_mem>>)
      %slice3A_362 = vector.extract_strided_slice %shift_right_logical3A_85 {offsets = [12], sizes = [1], strides = [1]} : vector<16xi32> to vector<1xi32>
      %squeeze3A_363 = vector.extract %slice3A_362[0] : i32 from vector<1xi32>
      %slice3A_364 = vector.extract_strided_slice %rem3A_87 {offsets = [12], sizes = [1], strides = [1]} : vector<16xi32> to vector<1xi32>
      %squeeze3A_365 = vector.extract %slice3A_364[0] : i32 from vector<1xi32>
      %rem3A_366 = arith.constant 16 : i32
      %rem3A_367 = arith.remsi %scan3A_80, %rem3A_366 : i32
      %mul3A_368 = arith.constant 16 : i32
      %mul3A_369 = arith.muli %rem3A_367, %mul3A_368 : i32
      %add3A_370 = arith.constant 12 : i32
      %add3A_371 = arith.addi %mul3A_369, %add3A_370 : i32
      %dma_start3A_372 = arith.constant 1 : i32
      %dma_start3A_373 = arith.constant 0 : i32
      %dma_start3A_374 = tpu.memref_slice %arg6[%dma_start3A_372, %add3A_371, %dma_start3A_373] : memref<2x256x128xf32, #tpu.memory_space<vmem>> -> memref<1x1x64xf32, #tpu.memory_space<vmem>>
      %dma_start3A_375 = tpu.memref_squeeze %dma_start3A_374 : memref<1x1x64xf32, #tpu.memory_space<vmem>> -> memref<64xf32, #tpu.memory_space<vmem>>
      %dma_start3A_376 = arith.constant 0 : i32
      %dma_start3A_377 = tpu.memref_slice %arg3[%squeeze3A_363, %squeeze3A_365, %dma_start3A_376] : memref<12500x8x64xf32, #tpu.memory_space<hbm>> -> memref<1x1x64xf32, #tpu.memory_space<hbm>>
      %dma_start3A_378 = tpu.memref_squeeze %dma_start3A_377 : memref<1x1x64xf32, #tpu.memory_space<hbm>> -> memref<64xf32, #tpu.memory_space<hbm>>
      %dma_start3A_379 = arith.constant 0 : i32
      %dma_start3A_380 = tpu.memref_slice %arg6[%dma_start3A_372, %add3A_371, %dma_start3A_379] : memref<2x256x128xf32, #tpu.memory_space<vmem>> -> memref<1x1x64xf32, #tpu.memory_space<vmem>>
      %dma_start3A_381 = tpu.memref_squeeze %dma_start3A_380 : memref<1x1x64xf32, #tpu.memory_space<vmem>> -> memref<64xf32, #tpu.memory_space<vmem>>
      %dma_start3A_382 = arith.constant 0 : i32
      %dma_start3A_383 = tpu.memref_slice %arg3[%squeeze3A_363, %squeeze3A_365, %dma_start3A_382] : memref<12500x8x64xf32, #tpu.memory_space<hbm>> -> memref<1x1x64xf32, #tpu.memory_space<hbm>>
      %dma_start3A_384 = tpu.memref_squeeze %dma_start3A_383 : memref<1x1x64xf32, #tpu.memory_space<hbm>> -> memref<64xf32, #tpu.memory_space<hbm>>
      tpu.enqueue_dma source(%dma_start3A_384 : memref<64xf32, #tpu.memory_space<hbm>>) target(%dma_start3A_381 : memref<64xf32, #tpu.memory_space<vmem>>) target_semaphore(%arg9 : memref<!tpu.dma_semaphore, #tpu.memory_space<semaphore_mem>>)
      %slice3A_385 = vector.extract_strided_slice %shift_right_logical3A_85 {offsets = [13], sizes = [1], strides = [1]} : vector<16xi32> to vector<1xi32>
      %squeeze3A_386 = vector.extract %slice3A_385[0] : i32 from vector<1xi32>
      %slice3A_387 = vector.extract_strided_slice %rem3A_87 {offsets = [13], sizes = [1], strides = [1]} : vector<16xi32> to vector<1xi32>
      %squeeze3A_388 = vector.extract %slice3A_387[0] : i32 from vector<1xi32>
      %rem3A_389 = arith.constant 16 : i32
      %rem3A_390 = arith.remsi %scan3A_80, %rem3A_389 : i32
      %mul3A_391 = arith.constant 16 : i32
      %mul3A_392 = arith.muli %rem3A_390, %mul3A_391 : i32
      %add3A_393 = arith.constant 13 : i32
      %add3A_394 = arith.addi %mul3A_392, %add3A_393 : i32
      %dma_start3A_395 = arith.constant 1 : i32
      %dma_start3A_396 = arith.constant 0 : i32
      %dma_start3A_397 = tpu.memref_slice %arg6[%dma_start3A_395, %add3A_394, %dma_start3A_396] : memref<2x256x128xf32, #tpu.memory_space<vmem>> -> memref<1x1x64xf32, #tpu.memory_space<vmem>>
      %dma_start3A_398 = tpu.memref_squeeze %dma_start3A_397 : memref<1x1x64xf32, #tpu.memory_space<vmem>> -> memref<64xf32, #tpu.memory_space<vmem>>
      %dma_start3A_399 = arith.constant 0 : i32
      %dma_start3A_400 = tpu.memref_slice %arg3[%squeeze3A_386, %squeeze3A_388, %dma_start3A_399] : memref<12500x8x64xf32, #tpu.memory_space<hbm>> -> memref<1x1x64xf32, #tpu.memory_space<hbm>>
      %dma_start3A_401 = tpu.memref_squeeze %dma_start3A_400 : memref<1x1x64xf32, #tpu.memory_space<hbm>> -> memref<64xf32, #tpu.memory_space<hbm>>
      %dma_start3A_402 = arith.constant 0 : i32
      %dma_start3A_403 = tpu.memref_slice %arg6[%dma_start3A_395, %add3A_394, %dma_start3A_402] : memref<2x256x128xf32, #tpu.memory_space<vmem>> -> memref<1x1x64xf32, #tpu.memory_space<vmem>>
      %dma_start3A_404 = tpu.memref_squeeze %dma_start3A_403 : memref<1x1x64xf32, #tpu.memory_space<vmem>> -> memref<64xf32, #tpu.memory_space<vmem>>
      %dma_start3A_405 = arith.constant 0 : i32
      %dma_start3A_406 = tpu.memref_slice %arg3[%squeeze3A_386, %squeeze3A_388, %dma_start3A_405] : memref<12500x8x64xf32, #tpu.memory_space<hbm>> -> memref<1x1x64xf32, #tpu.memory_space<hbm>>
      %dma_start3A_407 = tpu.memref_squeeze %dma_start3A_406 : memref<1x1x64xf32, #tpu.memory_space<hbm>> -> memref<64xf32, #tpu.memory_space<hbm>>
      tpu.enqueue_dma source(%dma_start3A_407 : memref<64xf32, #tpu.memory_space<hbm>>) target(%dma_start3A_404 : memref<64xf32, #tpu.memory_space<vmem>>) target_semaphore(%arg9 : memref<!tpu.dma_semaphore, #tpu.memory_space<semaphore_mem>>)
      %slice3A_408 = vector.extract_strided_slice %shift_right_logical3A_85 {offsets = [14], sizes = [1], strides = [1]} : vector<16xi32> to vector<1xi32>
      %squeeze3A_409 = vector.extract %slice3A_408[0] : i32 from vector<1xi32>
      %slice3A_410 = vector.extract_strided_slice %rem3A_87 {offsets = [14], sizes = [1], strides = [1]} : vector<16xi32> to vector<1xi32>
      %squeeze3A_411 = vector.extract %slice3A_410[0] : i32 from vector<1xi32>
      %rem3A_412 = arith.constant 16 : i32
      %rem3A_413 = arith.remsi %scan3A_80, %rem3A_412 : i32
      %mul3A_414 = arith.constant 16 : i32
      %mul3A_415 = arith.muli %rem3A_413, %mul3A_414 : i32
      %add3A_416 = arith.constant 14 : i32
      %add3A_417 = arith.addi %mul3A_415, %add3A_416 : i32
      %dma_start3A_418 = arith.constant 1 : i32
      %dma_start3A_419 = arith.constant 0 : i32
      %dma_start3A_420 = tpu.memref_slice %arg6[%dma_start3A_418, %add3A_417, %dma_start3A_419] : memref<2x256x128xf32, #tpu.memory_space<vmem>> -> memref<1x1x64xf32, #tpu.memory_space<vmem>>
      %dma_start3A_421 = tpu.memref_squeeze %dma_start3A_420 : memref<1x1x64xf32, #tpu.memory_space<vmem>> -> memref<64xf32, #tpu.memory_space<vmem>>
      %dma_start3A_422 = arith.constant 0 : i32
      %dma_start3A_423 = tpu.memref_slice %arg3[%squeeze3A_409, %squeeze3A_411, %dma_start3A_422] : memref<12500x8x64xf32, #tpu.memory_space<hbm>> -> memref<1x1x64xf32, #tpu.memory_space<hbm>>
      %dma_start3A_424 = tpu.memref_squeeze %dma_start3A_423 : memref<1x1x64xf32, #tpu.memory_space<hbm>> -> memref<64xf32, #tpu.memory_space<hbm>>
      %dma_start3A_425 = arith.constant 0 : i32
      %dma_start3A_426 = tpu.memref_slice %arg6[%dma_start3A_418, %add3A_417, %dma_start3A_425] : memref<2x256x128xf32, #tpu.memory_space<vmem>> -> memref<1x1x64xf32, #tpu.memory_space<vmem>>
      %dma_start3A_427 = tpu.memref_squeeze %dma_start3A_426 : memref<1x1x64xf32, #tpu.memory_space<vmem>> -> memref<64xf32, #tpu.memory_space<vmem>>
      %dma_start3A_428 = arith.constant 0 : i32
      %dma_start3A_429 = tpu.memref_slice %arg3[%squeeze3A_409, %squeeze3A_411, %dma_start3A_428] : memref<12500x8x64xf32, #tpu.memory_space<hbm>> -> memref<1x1x64xf32, #tpu.memory_space<hbm>>
      %dma_start3A_430 = tpu.memref_squeeze %dma_start3A_429 : memref<1x1x64xf32, #tpu.memory_space<hbm>> -> memref<64xf32, #tpu.memory_space<hbm>>
      tpu.enqueue_dma source(%dma_start3A_430 : memref<64xf32, #tpu.memory_space<hbm>>) target(%dma_start3A_427 : memref<64xf32, #tpu.memory_space<vmem>>) target_semaphore(%arg9 : memref<!tpu.dma_semaphore, #tpu.memory_space<semaphore_mem>>)
      %slice3A_431 = vector.extract_strided_slice %shift_right_logical3A_85 {offsets = [15], sizes = [1], strides = [1]} : vector<16xi32> to vector<1xi32>
      %squeeze3A_432 = vector.extract %slice3A_431[0] : i32 from vector<1xi32>
      %slice3A_433 = vector.extract_strided_slice %rem3A_87 {offsets = [15], sizes = [1], strides = [1]} : vector<16xi32> to vector<1xi32>
      %squeeze3A_434 = vector.extract %slice3A_433[0] : i32 from vector<1xi32>
      %rem3A_435 = arith.constant 16 : i32
      %rem3A_436 = arith.remsi %scan3A_80, %rem3A_435 : i32
      %mul3A_437 = arith.constant 16 : i32
      %mul3A_438 = arith.muli %rem3A_436, %mul3A_437 : i32
      %add3A_439 = arith.constant 15 : i32
      %add3A_440 = arith.addi %mul3A_438, %add3A_439 : i32
      %dma_start3A_441 = arith.constant 1 : i32
      %dma_start3A_442 = arith.constant 0 : i32
      %dma_start3A_443 = tpu.memref_slice %arg6[%dma_start3A_441, %add3A_440, %dma_start3A_442] : memref<2x256x128xf32, #tpu.memory_space<vmem>> -> memref<1x1x64xf32, #tpu.memory_space<vmem>>
      %dma_start3A_444 = tpu.memref_squeeze %dma_start3A_443 : memref<1x1x64xf32, #tpu.memory_space<vmem>> -> memref<64xf32, #tpu.memory_space<vmem>>
      %dma_start3A_445 = arith.constant 0 : i32
      %dma_start3A_446 = tpu.memref_slice %arg3[%squeeze3A_432, %squeeze3A_434, %dma_start3A_445] : memref<12500x8x64xf32, #tpu.memory_space<hbm>> -> memref<1x1x64xf32, #tpu.memory_space<hbm>>
      %dma_start3A_447 = tpu.memref_squeeze %dma_start3A_446 : memref<1x1x64xf32, #tpu.memory_space<hbm>> -> memref<64xf32, #tpu.memory_space<hbm>>
      %dma_start3A_448 = arith.constant 0 : i32
      %dma_start3A_449 = tpu.memref_slice %arg6[%dma_start3A_441, %add3A_440, %dma_start3A_448] : memref<2x256x128xf32, #tpu.memory_space<vmem>> -> memref<1x1x64xf32, #tpu.memory_space<vmem>>
      %dma_start3A_450 = tpu.memref_squeeze %dma_start3A_449 : memref<1x1x64xf32, #tpu.memory_space<vmem>> -> memref<64xf32, #tpu.memory_space<vmem>>
      %dma_start3A_451 = arith.constant 0 : i32
      %dma_start3A_452 = tpu.memref_slice %arg3[%squeeze3A_432, %squeeze3A_434, %dma_start3A_451] : memref<12500x8x64xf32, #tpu.memory_space<hbm>> -> memref<1x1x64xf32, #tpu.memory_space<hbm>>
      %dma_start3A_453 = tpu.memref_squeeze %dma_start3A_452 : memref<1x1x64xf32, #tpu.memory_space<hbm>> -> memref<64xf32, #tpu.memory_space<hbm>>
      tpu.enqueue_dma source(%dma_start3A_453 : memref<64xf32, #tpu.memory_space<hbm>>) target(%dma_start3A_450 : memref<64xf32, #tpu.memory_space<vmem>>) target_semaphore(%arg9 : memref<!tpu.dma_semaphore, #tpu.memory_space<semaphore_mem>>)
    }
    %scan3A_13 = arith.constant 16 : i32
    %dma_wait3A = arith.constant 0 : i32
    %dma_wait3A_14 = tpu.memref_slice %arg2[%dma_wait3A] : memref<16384xi32, #tpu.memory_space<hbm>> -> memref<16384xi32, #tpu.memory_space<hbm>>
    %dma_wait3A_15 = arith.constant 0 : i32
    %dma_wait3A_16 = tpu.memref_slice %arg2[%dma_wait3A_15] : memref<16384xi32, #tpu.memory_space<hbm>> -> memref<16384xi32, #tpu.memory_space<hbm>>
    tpu.wait_dma2 semaphore(%arg8 : memref<!tpu.dma_semaphore, #tpu.memory_space<semaphore_mem>>) src(%dma_wait3A_16 : memref<16384xi32, #tpu.memory_space<hbm>>) dst(%arg7 : memref<16384xi32, #tpu.memory_space<vmem>>)
    %add3A_17 = arith.constant 0 : i32
    %add3A_18 = arith.addi %mul3A_2, %add3A_17 : i32
    %dma_start3A = arith.constant 0 : i32
    %dma_start3A_19 = arith.constant 0 : i32
    %dma_start3A_20 = arith.constant 0 : i32
    %dma_start3A_21 = tpu.memref_slice %arg6[%dma_start3A, %dma_start3A_19, %dma_start3A_20] : memref<2x256x128xf32, #tpu.memory_space<vmem>> -> memref<1x256x128xf32, #tpu.memory_space<vmem>>
    %dma_start3A_22 = tpu.memref_squeeze %dma_start3A_21 : memref<1x256x128xf32, #tpu.memory_space<vmem>> -> memref<256x128xf32, #tpu.memory_space<vmem>>
    %dma_start3A_23 = arith.constant 0 : i32
    %dma_start3A_24 = tpu.memref_slice %arg4[%add3A_18, %dma_start3A_23] : memref<16384x128xf32, #tpu.memory_space<hbm>> -> memref<256x128xf32, #tpu.memory_space<hbm>>
    %dma_start3A_25 = arith.constant 0 : i32
    %dma_start3A_26 = tpu.memref_slice %arg4[%add3A_18, %dma_start3A_25] : memref<16384x128xf32, #tpu.memory_space<hbm>> -> memref<256x128xf32, #tpu.memory_space<hbm>>
    %dma_start3A_27 = arith.constant 0 : i32
    %dma_start3A_28 = arith.constant 0 : i32
    %dma_start3A_29 = tpu.memref_slice %arg6[%dma_start3A, %dma_start3A_27, %dma_start3A_28] : memref<2x256x128xf32, #tpu.memory_space<vmem>> -> memref<1x256x128xf32, #tpu.memory_space<vmem>>
    %dma_start3A_30 = tpu.memref_squeeze %dma_start3A_29 : memref<1x256x128xf32, #tpu.memory_space<vmem>> -> memref<256x128xf32, #tpu.memory_space<vmem>>
    tpu.enqueue_dma source(%dma_start3A_30 : memref<256x128xf32, #tpu.memory_space<vmem>>) target(%dma_start3A_26 : memref<256x128xf32, #tpu.memory_space<hbm>>) target_semaphore(%arg10 : memref<!tpu.dma_semaphore, #tpu.memory_space<semaphore_mem>>)
    %dma_wait3A_31 = arith.constant 0 : i32
    %dma_wait3A_32 = tpu.memref_slice %arg2[%dma_wait3A_31] : memref<16384xi32, #tpu.memory_space<hbm>> -> memref<16384xi32, #tpu.memory_space<hbm>>
    %dma_wait3A_33 = arith.constant 0 : i32
    %dma_wait3A_34 = tpu.memref_slice %arg2[%dma_wait3A_33] : memref<16384xi32, #tpu.memory_space<hbm>> -> memref<16384xi32, #tpu.memory_space<hbm>>
    tpu.wait_dma2 semaphore(%arg9 : memref<!tpu.dma_semaphore, #tpu.memory_space<semaphore_mem>>) src(%dma_wait3A_34 : memref<16384xi32, #tpu.memory_space<hbm>>) dst(%arg7 : memref<16384xi32, #tpu.memory_space<vmem>>)
    %add3A_35 = arith.constant 256 : i32
    %add3A_36 = arith.addi %mul3A_2, %add3A_35 : i32
    %dma_start3A_37 = arith.constant 1 : i32
    %dma_start3A_38 = arith.constant 0 : i32
    %dma_start3A_39 = arith.constant 0 : i32
    %dma_start3A_40 = tpu.memref_slice %arg6[%dma_start3A_37, %dma_start3A_38, %dma_start3A_39] : memref<2x256x128xf32, #tpu.memory_space<vmem>> -> memref<1x256x128xf32, #tpu.memory_space<vmem>>
    %dma_start3A_41 = tpu.memref_squeeze %dma_start3A_40 : memref<1x256x128xf32, #tpu.memory_space<vmem>> -> memref<256x128xf32, #tpu.memory_space<vmem>>
    %dma_start3A_42 = arith.constant 0 : i32
    %dma_start3A_43 = tpu.memref_slice %arg4[%add3A_36, %dma_start3A_42] : memref<16384x128xf32, #tpu.memory_space<hbm>> -> memref<256x128xf32, #tpu.memory_space<hbm>>
    %dma_start3A_44 = arith.constant 0 : i32
    %dma_start3A_45 = tpu.memref_slice %arg4[%add3A_36, %dma_start3A_44] : memref<16384x128xf32, #tpu.memory_space<hbm>> -> memref<256x128xf32, #tpu.memory_space<hbm>>
    %dma_start3A_46 = arith.constant 0 : i32
    %dma_start3A_47 = arith.constant 0 : i32
    %dma_start3A_48 = tpu.memref_slice %arg6[%dma_start3A_37, %dma_start3A_46, %dma_start3A_47] : memref<2x256x128xf32, #tpu.memory_space<vmem>> -> memref<1x256x128xf32, #tpu.memory_space<vmem>>
    %dma_start3A_49 = tpu.memref_squeeze %dma_start3A_48 : memref<1x256x128xf32, #tpu.memory_space<vmem>> -> memref<256x128xf32, #tpu.memory_space<vmem>>
    tpu.enqueue_dma source(%dma_start3A_49 : memref<256x128xf32, #tpu.memory_space<vmem>>) target(%dma_start3A_45 : memref<256x128xf32, #tpu.memory_space<hbm>>) target_semaphore(%arg10 : memref<!tpu.dma_semaphore, #tpu.memory_space<semaphore_mem>>)
    %dma_wait3A_50 = arith.constant 0 : i32
    %dma_wait3A_51 = arith.constant 0 : i32
    %dma_wait3A_52 = arith.constant 0 : i32
    %dma_wait3A_53 = tpu.memref_slice %arg6[%dma_wait3A_50, %dma_wait3A_51, %dma_wait3A_52] : memref<2x256x128xf32, #tpu.memory_space<vmem>> -> memref<1x256x128xf32, #tpu.memory_space<vmem>>
    %dma_wait3A_54 = tpu.memref_squeeze %dma_wait3A_53 : memref<1x256x128xf32, #tpu.memory_space<vmem>> -> memref<256x128xf32, #tpu.memory_space<vmem>>
    %dma_wait3A_55 = arith.constant 0 : i32
    %dma_wait3A_56 = arith.constant 0 : i32
    %dma_wait3A_57 = tpu.memref_slice %arg4[%dma_wait3A_55, %dma_wait3A_56] : memref<16384x128xf32, #tpu.memory_space<hbm>> -> memref<256x128xf32, #tpu.memory_space<hbm>>
    %dma_wait3A_58 = arith.constant 0 : i32
    %dma_wait3A_59 = arith.constant 0 : i32
    %dma_wait3A_60 = tpu.memref_slice %arg4[%dma_wait3A_58, %dma_wait3A_59] : memref<16384x128xf32, #tpu.memory_space<hbm>> -> memref<256x128xf32, #tpu.memory_space<hbm>>
    %dma_wait3A_61 = arith.constant 0 : i32
    %dma_wait3A_62 = arith.constant 0 : i32
    %dma_wait3A_63 = tpu.memref_slice %arg6[%dma_wait3A_50, %dma_wait3A_61, %dma_wait3A_62] : memref<2x256x128xf32, #tpu.memory_space<vmem>> -> memref<1x256x128xf32, #tpu.memory_space<vmem>>
    %dma_wait3A_64 = tpu.memref_squeeze %dma_wait3A_63 : memref<1x256x128xf32, #tpu.memory_space<vmem>> -> memref<256x128xf32, #tpu.memory_space<vmem>>
    tpu.wait_dma2 semaphore(%arg10 : memref<!tpu.dma_semaphore, #tpu.memory_space<semaphore_mem>>) src(%dma_wait3A_64 : memref<256x128xf32, #tpu.memory_space<vmem>>) dst(%dma_wait3A_60 : memref<256x128xf32, #tpu.memory_space<hbm>>)
    %dma_wait3A_65 = arith.constant 0 : i32
    %dma_wait3A_66 = arith.constant 0 : i32
    %dma_wait3A_67 = arith.constant 0 : i32
    %dma_wait3A_68 = tpu.memref_slice %arg6[%dma_wait3A_65, %dma_wait3A_66, %dma_wait3A_67] : memref<2x256x128xf32, #tpu.memory_space<vmem>> -> memref<1x256x128xf32, #tpu.memory_space<vmem>>
    %dma_wait3A_69 = tpu.memref_squeeze %dma_wait3A_68 : memref<1x256x128xf32, #tpu.memory_space<vmem>> -> memref<256x128xf32, #tpu.memory_space<vmem>>
    %dma_wait3A_70 = arith.constant 0 : i32
    %dma_wait3A_71 = arith.constant 0 : i32
    %dma_wait3A_72 = tpu.memref_slice %arg4[%dma_wait3A_70, %dma_wait3A_71] : memref<16384x128xf32, #tpu.memory_space<hbm>> -> memref<256x128xf32, #tpu.memory_space<hbm>>
    %dma_wait3A_73 = arith.constant 0 : i32
    %dma_wait3A_74 = arith.constant 0 : i32
    %dma_wait3A_75 = tpu.memref_slice %arg4[%dma_wait3A_73, %dma_wait3A_74] : memref<16384x128xf32, #tpu.memory_space<hbm>> -> memref<256x128xf32, #tpu.memory_space<hbm>>
    %dma_wait3A_76 = arith.constant 0 : i32
    %dma_wait3A_77 = arith.constant 0 : i32
    %dma_wait3A_78 = tpu.memref_slice %arg6[%dma_wait3A_65, %dma_wait3A_76, %dma_wait3A_77] : memref<2x256x128xf32, #tpu.memory_space<vmem>> -> memref<1x256x128xf32, #tpu.memory_space<vmem>>
    %dma_wait3A_79 = tpu.memref_squeeze %dma_wait3A_78 : memref<1x256x128xf32, #tpu.memory_space<vmem>> -> memref<256x128xf32, #tpu.memory_space<vmem>>
    tpu.wait_dma2 semaphore(%arg10 : memref<!tpu.dma_semaphore, #tpu.memory_space<semaphore_mem>>) src(%dma_wait3A_79 : memref<256x128xf32, #tpu.memory_space<vmem>>) dst(%dma_wait3A_75 : memref<256x128xf32, #tpu.memory_space<hbm>>)
    return
  }
}

</mosaic_0001>

<sc_bundles>
// kernel: kernel.3.cloned.1.call-start
scs
__scs_entry_jumppad:
0x0: {  	(pc) =	sbr.rel $0x88, $3  }
0x1: {  	(tag) =	ssettag $0x0;
	lr =	simm.s32 $0x1  }
0x2: {  	[smem:$0x3F9F] =	sst lr;
	_ =	strace $0xD0000000  }
0x3: {  	_ = 	snop  }
0x4: {  	_ = 	snop  }
0x5: {  	_ = 	snop  }
0x6: {  	_ = 	snop  }
0x7: {  	_ = 	snop  }
__scs_overlays_trampoline_lowered:
0x8: {  	[smem:$0x3FAE] =	sst s0  }
0x9: {  	[smem:$0x3FAF] =	sst s1  }
0xa: {  	[smem:$0x3FB0] =	sst s2  }
0xb: {  	[smem:$0x3FB1] =	sst s3  }
0xc: {  	[smem:$0x3FB2] =	sst s4  }
0xd: {  	[smem:$0x3FB3] =	sst s5  }
0xe: {  	[smem:$0x3FB4] =	sst s6  }
0xf: {  	[smem:$0x3FB5] =	sst s7  }
0x10: {  	[smem:$0x3FB6] =	sst s8  }
0x11: {  	[smem:$0x3FB7] =	sst s9;
	s0 =	simm.s32 @!p0 $0x0  }
0x12: {  	s1 =	sld [smem:$0x3F9D];
	s0 =	simm.s32 @p0 $0x1  }
0x13: {  	[smem:$0x3FB8] =	sst s0;
	s0 =	simm.s32 @!p1 $0x0  }
0x14: {  	s2 =	sld [smem:$0x3F9C];
	s0 =	simm.s32 @p1 $0x1  }
0x15: {  	[smem:$0x3FB9] =	sst s0;
	s0 =	simm.s32 @!p2 $0x0  }
0x16: {  	s3 =	sld [smem:$0x3FDB];
	s0 =	simm.s32 @p2 $0x1  }
0x17: {  	s4 =	simm.s32 $0x1BF5;
	[smem:$0x3FBB] =	sst s0  }
0x18: {  	s0 =	sld [smem:$0x3F9E];
	_ =	swait.ge [sflag:s4], $0x0  }
0x19: {  	s7 =	sld [smem:$0x3F9F]  }
0x1a: {  	s8 =	sadd.s32 $0xFFFFE003, lr  }
0x1b: {  	s9 =	sadd.s32 $0xFFFFFEF7, lr;
	s5 =	simm.s32 $0xFFFFFFFF;
	p2 =	slt.u32 s8, $0xFFFFF086  }
0x1c: {  	p1 =	slt.u32 s9, $0xF7A;
	s5 =	simm.s32 @!p2 $0x0  }
0x1d: {  	s5 =	simm.s32 @p1 $0x1;
	p0 =	seq.s32 s7, s2  }
0x1e: {  	s7 =	smul.u32 @!p0 $0xF7A, s2;
	p2 =	seq.s32 @!p0 s5, $0x0  }
0x1f: {  	s9 =	smul.u32 $0xF7A, s1;
	s8 =	simm.s32 @!p0 $0x1BF5;
	p2 =	por !p2, p0  }
0x20: {  	[sflag:s8] =	ssyncset.s32 @!p0 $0xFFFFF086;
	s6 =	sadd.s32 @!p0 s3, s7;
	s7 =	simm.s32 @!p0 $0x108  }
0x21: {  	s3 =	sadd.s32 s3, s9;
	s6 =	sadd.s32 @!p0 $0x88, s6;
	s7 =	simm.s32 @p2 $0x1082  }
0x22: {  	[simem:s7], [sflag:s8] =	dma.local @!p0 [hbm:s6], $0xF7A  }
0x23: {  	s9 =	sor.u32 $0xD0000000, s2;
	s6 =	simm.s32 $0x108;
	_ =	swait.ge @!p0 [sflag:s8], $0x0  }
0x24: {  	s3 =	sadd.s32 $0x88, s3;
	s6 =	simm.s32 @!p1 $0x1082;
	[sflag:s4] =	ssyncset.s32 $0xFFFFF086  }
0x25: {  	[simem:s6], [sflag:s4] =	dma.local [hbm:s3], $0xF7A  }
0x26: {  	[smem:$0x3F9F] =	sst s1;
	(tag) =	ssettag s2;
	_ =	strace s9  }
0x27: {  	s1 =	sld [smem:$0x3FAF]  }
0x28: {  	s2 =	sld [smem:$0x3FB0]  }
0x29: {  	s4 =	sld [smem:$0x3FB2]  }
0x2a: {  	p0 =	seq.s32 s5, $0x0;
	s5 =	sld [smem:$0x3FB3]  }
0x2b: {  	s6 =	sld [smem:$0x3FB4]  }
0x2c: {  	s7 =	sld [smem:$0x3FB5]  }
0x2d: {  	s3 =	simm.s32 $0x108;
	s8 =	sld [smem:$0x3FB6]  }
0x2e: {  	s3 =	simm.s32 @!p0 $0x1082;
	s9 =	sld [smem:$0x3FB7]  }
0x2f: {  	lr =	sadd.s32 s0, s3;
	s0 =	sld [smem:$0x3FAE]  }
0x30: {  	s3 =	sld [smem:$0x3FB1]  }
0x31: {  	[smem:$0x3FBA] =	sst s10  }
0x32: {  	s10 =	sld [smem:$0x3FB8];
	_ =	sdelay $0x3  }
0x33: {  	p0 =	seq.s32 s10, $0x1;
	s10 =	sld [smem:$0x3FBA];
	_ =	sdelay $0x3  }
0x34: {  	[smem:$0x3FBA] =	sst s10  }
0x35: {  	s10 =	sld [smem:$0x3FB9];
	_ =	sdelay $0x3  }
0x36: {  	p1 =	seq.s32 s10, $0x1;
	s10 =	sld [smem:$0x3FBA];
	_ =	sdelay $0x3  }
0x37: {  	[smem:$0x3FBA] =	sst s10  }
0x38: {  	s10 =	sld [smem:$0x3FBB]  }
0x39: {  	_ = 	snop;
	(pc) =	sbr.ind lr, $3  }
0x3a: {  	_ = 	snop  }
0x3b: {  	_ = 	snop  }
0x3c: {  	p2 =	seq.s32 s10, $0x1;
	s10 =	sld [smem:$0x3FBA]  }
0x3d: {  	_ =	shalt  }
0x3e: {  	_ =	shalt  }
0x3f: {  	_ =	shalt  }
0x40: {  	_ =	shalt  }
0x41: {  	_ =	shalt  }
0x42: {  	_ =	shalt  }
0x43: {  	_ =	shalt  }
0x44: {  	_ =	shalt  }
0x45: {  	_ =	shalt  }
0x46: {  	_ =	shalt  }
0x47: {  	_ =	shalt  }
0x48: {  	_ =	shalt  }
0x49: {  	_ =	shalt  }
0x4a: {  	_ =	shalt  }
0x4b: {  	_ =	shalt  }
0x4c: {  	_ =	shalt  }
0x4d: {  	_ =	shalt  }
0x4e: {  	_ =	shalt  }
0x4f: {  	_ =	shalt  }
0x50: {  	_ =	shalt  }
0x51: {  	_ =	shalt  }
0x52: {  	_ =	shalt  }
0x53: {  	_ =	shalt  }
0x54: {  	_ =	shalt  }
0x55: {  	_ =	shalt  }
0x56: {  	_ =	shalt  }
0x57: {  	_ =	shalt  }
0x58: {  	_ =	shalt  }
0x59: {  	_ =	shalt  }
0x5a: {  	_ =	shalt  }
0x5b: {  	_ =	shalt  }
0x5c: {  	_ =	shalt  }
0x5d: {  	_ =	shalt  }
0x5e: {  	_ =	shalt  }
0x5f: {  	_ =	shalt  }
0x60: {  	_ =	shalt  }
0x61: {  	_ =	shalt  }
0x62: {  	_ =	shalt  }
0x63: {  	_ =	shalt  }
0x64: {  	_ =	shalt  }
0x65: {  	_ =	shalt  }
0x66: {  	_ =	shalt  }
0x67: {  	_ =	shalt  }
0x68: {  	_ =	shalt  }
0x69: {  	_ =	shalt  }
0x6a: {  	_ =	shalt  }
0x6b: {  	_ =	shalt  }
0x6c: {  	_ =	shalt  }
0x6d: {  	_ =	shalt  }
0x6e: {  	_ =	shalt  }
0x6f: {  	_ =	shalt  }
0x70: {  	_ =	shalt  }
0x71: {  	_ =	shalt  }
0x72: {  	_ =	shalt  }
0x73: {  	_ =	shalt  }
0x74: {  	_ =	shalt  }
0x75: {  	_ =	shalt  }
0x76: {  	_ =	shalt  }
0x77: {  	_ =	shalt  }
0x78: {  	_ =	shalt  }
0x79: {  	_ =	shalt  }
0x7a: {  	_ =	shalt  }
0x7b: {  	_ =	shalt  }
0x7c: {  	_ =	shalt  }
0x7d: {  	_ =	shalt  }
0x7e: {  	_ =	shalt  }
0x7f: {  	_ =	shalt  }
0x80: {  	_ =	shalt  }
0x81: {  	_ =	shalt  }
0x82: {  	_ =	shalt  }
0x83: {  	_ =	shalt  }
0x84: {  	_ =	shalt  }
0x85: {  	_ =	shalt  }
0x86: {  	_ =	shalt  }
0x87: {  	_ =	shalt  }
.Lfunc_end0:
.L_simem_size_0:
called_computation_lowered:
.L_overlay_start_0:
0x88: {  	s2 =	sld [smem:$0x3FD9]  }
0x89: {  	s3 =	sld [smem:$0x3FFE];
	_ =	sdelay $0x1  }
0x8a: {  	s1 =	srdreg.scid  }
0x8b: {  	s0 =	sand.u32 $0x1, s1  }
0x8c: {  	s17 =	sshll.u32 s0, $0xA;
	s2 =	sadd.s32 s3, s2  }
0x8d: {  	s2 =	sadd.s32 s2, s17  }
0x8e: {  	[smem:$0x3FC6] =	sst s2  }
0x8f: {  	_ = 	snop  }
0x90: {  	s2 =	sld [smem:$0x3FC9];
	(tm) =	ssettm $0x1  }
0x91: {  	s18 =	sld [smem:$0x3FFB];
	_ =	sdelay $0x3  }
0x92: {  	_ =	strace s18  }
0x93: {  	s3 =	sld [smem:$0x3FFC];
	_ =	sdelay $0x3  }
0x94: {  	_ =	strace s3  }
0x95: {  	s3 =	sld [smem:$0x3FFD];
	_ =	sdelay $0x3  }
0x96: {  	_ =	strace s3  }
0x97: {  	_ =	strace $0x8FFFFFFF  }
0x98: {  	s19 =	sld [smem:$0x3FDB];
	_ =	sdelay $0x1  }
0x99: {  	s4 =	simm.s32 $_scs_section_size  }
0x9a: {  	s5 =	simm.s32 $_size__tile_overlayer_lowered;
	s6 =	simm.s32 $_tile_overlayer_lowered  }
0x9b: {  	s22 =	simm.s32 $0x1BFF;
	s21 =	sshll.u32 s6, $0x1;
	s3 =	sadd.s32 s4, s19  }
0x9c: {  	s7 =	simm.s32 $0x0;
	s20 =	sshll.u32 s5, $0x1;
	s5 =	sadd.s32 s21, s3  }
0x9d: {  	[timem:s7], [sflag:s22] =	dma.local [hbm:s5], s20  }
0x9e: {  	_ =	swait.ge [sflag:s22], s20  }
0x9f: {  	s4 =	ssub.s32 $0x0, s20;
	[sflag:s22] =	ssyncset.done $0x0  }
0xa0: {  	[sflag:s22] =	ssyncadd.s32 s4;
	_ =	sdelay $0x1  }
0xa1: {  	s23 =	simm.s32 $0x1B8B  }
0xa2: {  	_ =	swait.ge [sflag:s23], $0x1  }
0xa3: {  	[sflag:s23] =	ssyncset.done $0x0  }
0xa4: {  	s25 =	simm.s32 $0x1B8E;
	s24 =	sld [smem:$0x3FFE];
	[sflag:s23] =	ssyncadd.s32 $0xFFFFFFFF  }
0xa5: {  	s26 =	simm.s32 $execute0_lowered;
	[smem:$0x3FD2] =	sst s25  }
0xa6: {  	s5 =	sshll.u32 s26, $0x1;
	_ =	strace $0x80000046;
	[dreg:$0x1] =	wrdreg $0xFFFFFFFF  }
0xa7: {  	s28 =	simm.s32 $_size_execute0_lowered;
	s3 =	sadd.s32 s3, s5;
	[dreg:$0x0] =	wrdreg $0x0  }
0xa8: {  	s5 =	sshll.u32 s28, $0x1;
	[dreg:$0x2] =	wrdreg s3  }
0xa9: {  	[dreg:$0x3] =	wrdreg s5  }
0xaa: {  	[dreg:$0x4] =	wrdreg $0xC0  }
0xab: {  	_ =	task [dreg:s7], $0x5FFFF  }
0xac: {  	[dreg:$0x1] =	wrdreg $0xFFFFFFFF  }
0xad: {  	[dreg:$0x0] =	wrdreg $0x60  }
0xae: {  	[dreg:$0x2] =	wrdreg s2  }
0xaf: {  	[dreg:$0x3] =	wrdreg s24  }
0xb0: {  	[dreg:$0x4] =	wrdreg $0x9  }
0xb1: {  	_ =	task.clear_ibuf [dreg:s7], $0x5FFFF;
	_ =	strace $0x90000046  }
0xb2: {  	s29 =	simm.s32 $0x9;
	_ =	strace $0x80000048  }
0xb3: {  	_ =	swait.ge [sflag:s29], $0x1  }
0xb4: {  	[sflag:s29] =	ssyncadd.s32 $0xFFFFFFFF  }
0xb5: {  	_ =	strace $0x90000048  }
0xb6: {  	_ =	sfence  }
0xb7: {  	s30 =	sld [smem:$0x0];
	_ =	sdelay $0x2  }
0xb8: {  	s31 =	sshll.u32 s1, $0xD;
	s1 =	sshrl.u32 s1, $0x2  }
0xb9: {  	s3 =	sand.u32 $0x4000, s31;
	s1 =	sadd.s32 s1, s30  }
0xba: {  	s0 =	sor.u32 s3, s0;
	s1 =	sshll.u32 s1, $0x11  }
0xbb: {  	s0 =	sor.u32 s1, s0  }
0xbc: {  	s0 =	sadd.s32 $0x8F2B, s0  }
0xbd: {  	[sflag:s0] =	ssyncadd.remote.s32 $0x1  }
0xbe: {  	_ =	sfence.sel $0xFFFF  }
0xbf: {  	[dreg:$0x0] =	wrdreg $0xFFFFFFFF;
	(pc) =	sbr.abs _section_cstart, $3  }
0xc0: {  	[dreg:$0x1] =	wrdreg $0xFFFFFFFF  }
0xc1: {  	_ =	task.clear_ibuf [dreg:s7], $0x2FFFF;
	_ =	strace $0x9FFFFFFF  }
0xc2: {  	(tm) =	ssettm $0x7FFFFFFF  }
0xc3: {  	_ =	shalt  }
tec
execute0_lowered:
.L_overlay_start_1:
0x0: {  	(tag) =	ssettag $0x1  }
0x1: {  	s4 =	rddreg [dreg:$0x0]  }
0x2: {  	s5 =	rddreg [dreg:$0x1]  }
0x3: {  	s0 =	rddreg [dreg:$0x2];
	s2 =	simm.s32 $0x0;
	s3 =	srdreg.scid  }
0x4: {  	s1 =	stileid.u32;
	s10 =	simm.s32 $0x400;
	s11 =	simm.s32 $0x1  }
0x5: {  	s12 =	simm.s32 $0x200;
	s13 =	simm.s32 $0x2;
	s14 =	simm.s32 $0x8200  }
0x6: {  	s15 =	simm.s32 $0x3;
	s16 =	simm.s32 $0x0;
	s6 =	sand.u32 $0x1, s3  }
0x7: {  	[smem:$0x7FF] =	sst s2;
	s7 =	sshll.u32 s1, $0xA;
	s8 =	sshll.u32 s6, $0x9  }
0x8: {  	s3 =	sadd.s32 $0x400, s5;
	s6 =	ssub.s32 $0x2, s6;
	s7 =	sor.u32 s8, s7  }
0x9: {  	_ =	strace $0x80000047;
	s9 =	sshrl.u32 s6, $0x1;
	s8 =	sshll.u32 s7, $0x4  }
0xa: {  	s7 =	sshrl.u32 s7, $0x3;
	s9 =	ssub.s32 s6, s9;
	s8 =	sadd.s32 s8, s5  }
0xb: {  	s4 =	sadd.s32 s4, s7;
	s7 =	smax.u32 s9, $0x1;
	s9 =	simm.s32 $0x80  }
0xc: {  	s5 =	sadd.s32 $0x186E00, s8;
	s6 =	sadd.s32 $0x187E00, s8;
	s8 =	simm.s32 $0x4  }
.LBB2_1:
0xd: {  	[tilespmem:s2], [sflag:$0x4] =	stream.linear.gather [hbm4b:s4+s2], $0x200, $0x38;
	[tilespmem:$0x10200] =	vst v63  }
0xe: {  	_ =	swait.ge [sflag:s8], $0x200  }
0xf: {  	[sflag:s8] =	ssyncset.done $0x0  }
0x10: {  	s18 =	simm.s32 $0x0;
	s19 =	simm.s32 $0x0;
	[sflag:s8] =	ssyncadd.s32 $0xFFFFFE00  }
.LBB2_2:
0x11: {  	v0 =	vld [tilespmem:s18+$0x0];
	_ =	sdelay $0x4  }
0x12: {  	v1 =	vshra.s32 v0, $0x1F  }
0x13: {  	v1 =	vshrl.u32 v1, $0x1D  }
0x14: {  	v1 =	vadd.s32 v1, v0  }
0x15: {  	v1 =	vand.u32 $0xFFFFFFF8, v1  }
0x16: {  	v2 =	vshrl.u32 v0, $0x3;
	v0 =	vsub.s32 v0, v1  }
0x17: {  	v63 =	vshll.u32 v2, $0xA;
	(v2sf) =	vpush v0, $0x0  }
0x18: {  	(v2sf) =	vpush v63, $0x0;
	_ =	sdelay $0x2  }
0x19: {  	(v2sf) =	vpush v0, $0x1;
	_ =	sdelay $0x2  }
0x1a: {  	(v2sf) =	vpush v63, $0x1;
	_ =	sdelay $0x7  }
0x1b: {  	s17 =	spop (v2sf)  }
0x1c: {  	(v2sf) =	vpush v0, $0x2;
	s20 =	sand.u32 $0xFFFFFC00, s17;
	s21 =	spop (v2sf);
	s17 =	sshll.u32 s17, $0x7  }
0x1d: {  	(v2sf) =	vpush v63, $0x2;
	s20 =	sadd.s32 s20, s21;
	s17 =	sand.u32 $0x380, s17  }
0x1e: {  	s17 =	sor.u32 s17, s20  }
0x1f: {  	s29 =	spop (v2sf);
	s20 =	sshra.s32 s19, $0x2;
	s17 =	sshrl.u32 s17, $0x3  }
0x20: {  	s30 =	sand.u32 $0xFFFFFC00, s29;
	s28 =	sadd.s32 $0x200, s20;
	s22 =	sadd.s32 s3, s17  }
0x21: {  	[tilespmem:s28], [sflag:$0x1] =	stream.strided.gather [hbm4b:s22+s9], $0x0, s10, s9, $0x38;
	[tilespmem:$0x10200] =	vst v63  }
0x22: {  	s23 =	spop (v2sf);
	s21 =	sshll.u32 s29, $0x7;
	s17 =	simm.s32 $0x0  }
0x23: {  	(v2sf) =	vpush v0, $0x3;
	[tilespmem:s28], [sflag:$0x1] =	stream.linear.gather [hbm4b:s22+s17], $0x40, $0x38;
	[tilespmem:$0x10200] =	vst v63  }
0x24: {  	s21 =	sand.u32 $0x380, s21;
	s22 =	sadd.s32 s30, s23  }
0x25: {  	(v2sf) =	vpush v63, $0x3;
	s21 =	sor.u32 s21, s22  }
0x26: {  	s21 =	sshrl.u32 s21, $0x3  }
0x27: {  	s31 =	sadd.s32 $0x280, s20;
	s21 =	sadd.s32 s3, s21  }
0x28: {  	[tilespmem:s31], [sflag:$0x1] =	stream.strided.gather [hbm4b:s21+s9], $0x0, s10, s9, $0x38;
	[tilespmem:$0x10200] =	vst v63  }
0x29: {  	_ = 	snop  }
0x2a: {  	[tilespmem:s31], [sflag:$0x1] =	stream.linear.gather [hbm4b:s21+s17], $0x40, $0x38;
	[tilespmem:$0x10200] =	vst v63  }
0x2b: {  	s23 =	spop (v2sf)  }
0x2c: {  	s24 =	sand.u32 $0xFFFFFC00, s23;
	s25 =	spop (v2sf);
	s21 =	sshll.u32 s23, $0x7  }
0x2d: {  	(v2sf) =	vpush v0, $0x4;
	s22 =	sadd.s32 s24, s25;
	s21 =	sand.u32 $0x380, s21  }
0x2e: {  	(v2sf) =	vpush v63, $0x4;
	s21 =	sor.u32 s21, s22  }
0x2f: {  	s21 =	sshrl.u32 s21, $0x3  }
0x30: {  	s26 =	sadd.s32 $0x300, s20;
	s21 =	sadd.s32 s3, s21  }
0x31: {  	[tilespmem:s26], [sflag:$0x1] =	stream.strided.gather [hbm4b:s21+s9], $0x0, s10, s9, $0x38;
	[tilespmem:$0x10200] =	vst v63  }
0x32: {  	s28 =	spop (v2sf)  }
0x33: {  	[tilespmem:s26], [sflag:$0x1] =	stream.linear.gather [hbm4b:s21+s17], $0x40, $0x38;
	[tilespmem:$0x10200] =	vst v63  }
0x34: {  	(v2sf) =	vpush v0, $0x5;
	s29 =	sand.u32 $0xFFFFFC00, s28;
	s30 =	spop (v2sf);
	s21 =	sshll.u32 s28, $0x7  }
0x35: {  	s22 =	sadd.s32 s29, s30;
	s21 =	sand.u32 $0x380, s21  }
0x36: {  	(v2sf) =	vpush v63, $0x5;
	s21 =	sor.u32 s21, s22  }
0x37: {  	s21 =	sshrl.u32 s21, $0x3  }
0x38: {  	s31 =	sadd.s32 $0x380, s20;
	s21 =	sadd.s32 s3, s21  }
0x39: {  	[tilespmem:s31], [sflag:$0x1] =	stream.strided.gather [hbm4b:s21+s9], $0x0, s10, s9, $0x38;
	[tilespmem:$0x10200] =	vst v63  }
0x3a: {  	_ = 	snop  }
0x3b: {  	[tilespmem:s31], [sflag:$0x1] =	stream.linear.gather [hbm4b:s21+s17], $0x40, $0x38;
	[tilespmem:$0x10200] =	vst v63  }
0x3c: {  	s23 =	spop (v2sf)  }
0x3d: {  	s24 =	sand.u32 $0xFFFFFC00, s23;
	s25 =	spop (v2sf);
	s21 =	sshll.u32 s23, $0x7  }
0x3e: {  	(v2sf) =	vpush v0, $0x6;
	s22 =	sadd.s32 s24, s25;
	s21 =	sand.u32 $0x380, s21  }
0x3f: {  	(v2sf) =	vpush v63, $0x6;
	s21 =	sor.u32 s21, s22  }
0x40: {  	s21 =	sshrl.u32 s21, $0x3  }
0x41: {  	s26 =	sadd.s32 $0x400, s20;
	s21 =	sadd.s32 s3, s21  }
0x42: {  	[tilespmem:s26], [sflag:$0x1] =	stream.strided.gather [hbm4b:s21+s9], $0x0, s10, s9, $0x38;
	[tilespmem:$0x10200] =	vst v63  }
0x43: {  	s28 =	spop (v2sf)  }
0x44: {  	[tilespmem:s26], [sflag:$0x1] =	stream.linear.gather [hbm4b:s21+s17], $0x40, $0x38;
	[tilespmem:$0x10200] =	vst v63  }
0x45: {  	(v2sf) =	vpush v0, $0x7;
	s29 =	sand.u32 $0xFFFFFC00, s28;
	s30 =	spop (v2sf);
	s21 =	sshll.u32 s28, $0x7  }
0x46: {  	s22 =	sadd.s32 s29, s30;
	s21 =	sand.u32 $0x380, s21  }
0x47: {  	(v2sf) =	vpush v63, $0x7;
	s21 =	sor.u32 s21, s22  }
0x48: {  	s21 =	sshrl.u32 s21, $0x3  }
0x49: {  	s31 =	sadd.s32 $0x480, s20;
	s21 =	sadd.s32 s3, s21  }
0x4a: {  	[tilespmem:s31], [sflag:$0x1] =	stream.strided.gather [hbm4b:s21+s9], $0x0, s10, s9, $0x38;
	[tilespmem:$0x10200] =	vst v63  }
0x4b: {  	_ = 	snop  }
0x4c: {  	[tilespmem:s31], [sflag:$0x1] =	stream.linear.gather [hbm4b:s21+s17], $0x40, $0x38;
	[tilespmem:$0x10200] =	vst v63  }
0x4d: {  	s23 =	spop (v2sf)  }
0x4e: {  	s24 =	sand.u32 $0xFFFFFC00, s23;
	s25 =	spop (v2sf);
	s21 =	sshll.u32 s23, $0x7  }
0x4f: {  	(v2sf) =	vpush v0, $0x8;
	s22 =	sadd.s32 s24, s25;
	s21 =	sand.u32 $0x380, s21  }
0x50: {  	(v2sf) =	vpush v63, $0x8;
	s21 =	sor.u32 s21, s22  }
0x51: {  	s21 =	sshrl.u32 s21, $0x3  }
0x52: {  	s26 =	sadd.s32 $0x500, s20;
	s21 =	sadd.s32 s3, s21  }
0x53: {  	[tilespmem:s26], [sflag:$0x1] =	stream.strided.gather [hbm4b:s21+s9], $0x0, s10, s9, $0x38;
	[tilespmem:$0x10200] =	vst v63  }
0x54: {  	s28 =	spop (v2sf)  }
0x55: {  	[tilespmem:s26], [sflag:$0x1] =	stream.linear.gather [hbm4b:s21+s17], $0x40, $0x38;
	[tilespmem:$0x10200] =	vst v63  }
0x56: {  	(v2sf) =	vpush v0, $0x9;
	s29 =	sand.u32 $0xFFFFFC00, s28;
	s30 =	spop (v2sf);
	s21 =	sshll.u32 s28, $0x7  }
0x57: {  	s22 =	sadd.s32 s29, s30;
	s21 =	sand.u32 $0x380, s21  }
0x58: {  	(v2sf) =	vpush v63, $0x9;
	s21 =	sor.u32 s21, s22  }
0x59: {  	s21 =	sshrl.u32 s21, $0x3  }
0x5a: {  	s31 =	sadd.s32 $0x580, s20;
	s21 =	sadd.s32 s3, s21  }
0x5b: {  	[tilespmem:s31], [sflag:$0x1] =	stream.strided.gather [hbm4b:s21+s9], $0x0, s10, s9, $0x38;
	[tilespmem:$0x10200] =	vst v63  }
0x5c: {  	_ = 	snop  }
0x5d: {  	[tilespmem:s31], [sflag:$0x1] =	stream.linear.gather [hbm4b:s21+s17], $0x40, $0x38;
	[tilespmem:$0x10200] =	vst v63  }
0x5e: {  	s23 =	spop (v2sf)  }
0x5f: {  	s24 =	sand.u32 $0xFFFFFC00, s23;
	s25 =	spop (v2sf);
	s21 =	sshll.u32 s23, $0x7  }
0x60: {  	(v2sf) =	vpush v0, $0xA;
	s22 =	sadd.s32 s24, s25;
	s21 =	sand.u32 $0x380, s21  }
0x61: {  	(v2sf) =	vpush v63, $0xA;
	s21 =	sor.u32 s21, s22  }
0x62: {  	s21 =	sshrl.u32 s21, $0x3  }
0x63: {  	s26 =	sadd.s32 $0x600, s20;
	s21 =	sadd.s32 s3, s21  }
0x64: {  	[tilespmem:s26], [sflag:$0x1] =	stream.strided.gather [hbm4b:s21+s9], $0x0, s10, s9, $0x38;
	[tilespmem:$0x10200] =	vst v63  }
0x65: {  	s28 =	spop (v2sf)  }
0x66: {  	[tilespmem:s26], [sflag:$0x1] =	stream.linear.gather [hbm4b:s21+s17], $0x40, $0x38;
	[tilespmem:$0x10200] =	vst v63  }
0x67: {  	(v2sf) =	vpush v0, $0xB;
	s29 =	sand.u32 $0xFFFFFC00, s28;
	s30 =	spop (v2sf);
	s21 =	sshll.u32 s28, $0x7  }
0x68: {  	s22 =	sadd.s32 s29, s30;
	s21 =	sand.u32 $0x380, s21  }
0x69: {  	(v2sf) =	vpush v63, $0xB;
	s21 =	sor.u32 s21, s22  }
0x6a: {  	s21 =	sshrl.u32 s21, $0x3  }
0x6b: {  	s31 =	sadd.s32 $0x680, s20;
	s21 =	sadd.s32 s3, s21  }
0x6c: {  	[tilespmem:s31], [sflag:$0x1] =	stream.strided.gather [hbm4b:s21+s9], $0x0, s10, s9, $0x38;
	[tilespmem:$0x10200] =	vst v63  }
0x6d: {  	_ = 	snop  }
0x6e: {  	[tilespmem:s31], [sflag:$0x1] =	stream.linear.gather [hbm4b:s21+s17], $0x40, $0x38;
	[tilespmem:$0x10200] =	vst v63  }
0x6f: {  	s23 =	spop (v2sf)  }
0x70: {  	s24 =	sand.u32 $0xFFFFFC00, s23;
	s25 =	spop (v2sf);
	s21 =	sshll.u32 s23, $0x7  }
0x71: {  	(v2sf) =	vpush v0, $0xC;
	s22 =	sadd.s32 s24, s25;
	s21 =	sand.u32 $0x380, s21  }
0x72: {  	(v2sf) =	vpush v63, $0xC;
	s21 =	sor.u32 s21, s22  }
0x73: {  	s21 =	sshrl.u32 s21, $0x3  }
0x74: {  	s26 =	sadd.s32 $0x700, s20;
	s21 =	sadd.s32 s3, s21  }
0x75: {  	[tilespmem:s26], [sflag:$0x1] =	stream.strided.gather [hbm4b:s21+s9], $0x0, s10, s9, $0x38;
	[tilespmem:$0x10200] =	vst v63  }
0x76: {  	s28 =	spop (v2sf);
	(v2sf) =	vpush v0, $0xD  }
0x77: {  	[tilespmem:s26], [sflag:$0x1] =	stream.linear.gather [hbm4b:s21+s17], $0x40, $0x38;
	[tilespmem:$0x10200] =	vst v63  }
0x78: {  	s29 =	sand.u32 $0xFFFFFC00, s28;
	s30 =	spop (v2sf);
	(v2sf) =	vpush v63, $0xD;
	s21 =	sshll.u32 s28, $0x7  }
0x79: {  	s22 =	sadd.s32 s29, s30;
	s21 =	sand.u32 $0x380, s21  }
0x7a: {  	s21 =	sor.u32 s21, s22  }
0x7b: {  	s21 =	sshrl.u32 s21, $0x3  }
0x7c: {  	s31 =	sadd.s32 $0x780, s20;
	s21 =	sadd.s32 s3, s21  }
0x7d: {  	[tilespmem:s31], [sflag:$0x1] =	stream.strided.gather [hbm4b:s21+s9], $0x0, s10, s9, $0x38;
	[tilespmem:$0x10200] =	vst v63  }
0x7e: {  	_ = 	snop  }
0x7f: {  	[tilespmem:s31], [sflag:$0x1] =	stream.linear.gather [hbm4b:s21+s17], $0x40, $0x38;
	[tilespmem:$0x10200] =	vst v63  }
0x80: {  	s22 =	spop (v2sf);
	(v2sf) =	vpush v0, $0xE  }
0x81: {  	s23 =	sand.u32 $0xFFFFFC00, s22;
	s24 =	spop (v2sf);
	s21 =	sshll.u32 s22, $0x7  }
0x82: {  	(v2sf) =	vpush v63, $0xE;
	s22 =	sadd.s32 s23, s24;
	s21 =	sand.u32 $0x380, s21  }
0x83: {  	s21 =	sor.u32 s21, s22  }
0x84: {  	s21 =	sshrl.u32 s21, $0x3  }
0x85: {  	s25 =	sadd.s32 $0x800, s20;
	s26 =	spop (v2sf);
	s21 =	sadd.s32 s3, s21  }
0x86: {  	(v2sf) =	vpush v63, $0xF;
	[tilespmem:s25], [sflag:$0x1] =	stream.strided.gather [hbm4b:s21+s9], $0x0, s10, s9, $0x38;
	[tilespmem:$0x10200] =	vst v63  }
0x87: {  	s29 =	spop (v2sf)  }
0x88: {  	(v2sf) =	vpush v0, $0xF;
	[tilespmem:s25], [sflag:$0x1] =	stream.linear.gather [hbm4b:s21+s17], $0x40, $0x38;
	[tilespmem:$0x10200] =	vst v63  }
0x89: {  	s28 =	sand.u32 $0xFFFFFC00, s26;
	s21 =	sshll.u32 s26, $0x7  }
0x8a: {  	s22 =	sadd.s32 s28, s29;
	s21 =	sand.u32 $0x380, s21  }
0x8b: {  	s21 =	sor.u32 s21, s22  }
0x8c: {  	s21 =	sshrl.u32 s21, $0x3  }
0x8d: {  	s30 =	sadd.s32 $0x880, s20;
	s21 =	sadd.s32 s3, s21  }
0x8e: {  	[tilespmem:s30], [sflag:$0x1] =	stream.strided.gather [hbm4b:s21+s9], $0x0, s10, s9, $0x38;
	[tilespmem:$0x10200] =	vst v63  }
0x8f: {  	s31 =	spop (v2sf)  }
0x90: {  	[tilespmem:s30], [sflag:$0x1] =	stream.linear.gather [hbm4b:s21+s17], $0x40, $0x38;
	[tilespmem:$0x10200] =	vst v63  }
0x91: {  	s24 =	spop (v2sf);
	s25 =	sand.u32 $0xFFFFFC00, s31;
	s23 =	sshll.u32 s31, $0x7  }
0x92: {  	s21 =	sadd.s32 s25, s24;
	s26 =	sand.u32 $0x380, s23  }
0x93: {  	s21 =	sor.u32 s26, s21  }
0x94: {  	s21 =	sshrl.u32 s21, $0x3  }
0x95: {  	s28 =	sadd.s32 $0x900, s20;
	s29 =	spop (v2sf);
	s21 =	sadd.s32 s3, s21  }
0x96: {  	[tilespmem:s28], [sflag:$0x1] =	stream.strided.gather [hbm4b:s21+s9], $0x0, s10, s9, $0x38;
	[tilespmem:$0x10200] =	vst v63  }
0x97: {  	s30 =	spop (v2sf)  }
0x98: {  	[tilespmem:s28], [sflag:$0x1] =	stream.linear.gather [hbm4b:s21+s17], $0x40, $0x38;
	[tilespmem:$0x10200] =	vst v63  }
0x99: {  	s31 =	sand.u32 $0xFFFFFC00, s30;
	s21 =	sshll.u32 s30, $0x7  }
0x9a: {  	s22 =	sadd.s32 s31, s29;
	s21 =	sand.u32 $0x380, s21  }
0x9b: {  	p0 =	sne.s32 s19, $0x1E000;
	s21 =	sor.u32 s21, s22  }
.Ltmp0:
0x9c: {  	s21 =	sshrl.u32 s21, $0x3;
	(pc) =	sbr.rel @p0 .LBB2_2-.Ltmp0, $4  }
0x9d: {  	s20 =	sadd.s32 $0x980, s20;
	s21 =	sadd.s32 s3, s21  }
0x9e: {  	[tilespmem:s20], [sflag:$0x1] =	stream.strided.gather [hbm4b:s21+s9], $0x0, s10, s9, $0x38;
	[tilespmem:$0x10200] =	vst v63  }
0x9f: {  	s18 =	sadd.s32 $0x10, s18;
	s19 =	sadd.s32 $0x2000, s19  }
0xa0: {  	[tilespmem:s20], [sflag:$0x1] =	stream.linear.gather [hbm4b:s21+s17], $0x40, $0x38;
	[tilespmem:$0x10200] =	vst v63  }
0xa1: {  	s18 =	simm.s32 $0x100  }
.LBB2_4:
0xa2: {  	v0 =	vld [tilespmem:s18+$0x0];
	_ =	sdelay $0x4  }
0xa3: {  	v1 =	vshra.s32 v0, $0x1F  }
0xa4: {  	v1 =	vshrl.u32 v1, $0x1D  }
0xa5: {  	v1 =	vadd.s32 v1, v0  }
0xa6: {  	v1 =	vand.u32 $0xFFFFFFF8, v1  }
0xa7: {  	v2 =	vshrl.u32 v0, $0x3;
	v0 =	vsub.s32 v0, v1  }
0xa8: {  	v63 =	vshll.u32 v2, $0xA;
	(v2sf) =	vpush v0, $0x0  }
0xa9: {  	(v2sf) =	vpush v63, $0x0;
	_ =	sdelay $0x5  }
0xaa: {  	(v2sf) =	vpush v0, $0x1;
	_ =	sdelay $0x1  }
0xab: {  	(v2sf) =	vpush v63, $0x1;
	_ =	sdelay $0x5  }
0xac: {  	s19 =	spop (v2sf)  }
0xad: {  	s20 =	sand.u32 $0xFFFFFC00, s19;
	s21 =	spop (v2sf);
	s19 =	sshll.u32 s19, $0x7  }
0xae: {  	(v2sf) =	vpush v0, $0x2;
	s20 =	sadd.s32 s20, s21;
	s19 =	sand.u32 $0x380, s19  }
0xaf: {  	(v2sf) =	vpush v63, $0x2;
	s20 =	sor.u32 s19, s20  }
0xb0: {  	s19 =	sshra.s32 s17, $0x2;
	s20 =	sshrl.u32 s20, $0x3  }
0xb1: {  	s29 =	sadd.s32 $0x8200, s19;
	s20 =	sadd.s32 s3, s20  }
0xb2: {  	[tilespmem:s29], [sflag:$0x2] =	stream.strided.gather [hbm4b:s20+s9], $0x0, s10, s9, $0x38;
	[tilespmem:$0x10200] =	vst v63  }
0xb3: {  	s30 =	spop (v2sf)  }
0xb4: {  	[tilespmem:s29], [sflag:$0x2] =	stream.linear.gather [hbm4b:s20+s2], $0x40, $0x38;
	[tilespmem:$0x10200] =	vst v63  }
0xb5: {  	(v2sf) =	vpush v0, $0x3;
	s31 =	sand.u32 $0xFFFFFC00, s30;
	s22 =	spop (v2sf);
	s20 =	sshll.u32 s30, $0x7  }
0xb6: {  	s21 =	sadd.s32 s31, s22;
	s20 =	sand.u32 $0x380, s20  }
0xb7: {  	(v2sf) =	vpush v63, $0x3;
	s20 =	sor.u32 s20, s21  }
0xb8: {  	s20 =	sshrl.u32 s20, $0x3  }
0xb9: {  	s23 =	sadd.s32 $0x8280, s19;
	s20 =	sadd.s32 s3, s20  }
0xba: {  	[tilespmem:s23], [sflag:$0x2] =	stream.strided.gather [hbm4b:s20+s9], $0x0, s10, s9, $0x38;
	[tilespmem:$0x10200] =	vst v63  }
0xbb: {  	_ = 	snop  }
0xbc: {  	[tilespmem:s23], [sflag:$0x2] =	stream.linear.gather [hbm4b:s20+s2], $0x40, $0x38;
	[tilespmem:$0x10200] =	vst v63  }
0xbd: {  	s24 =	spop (v2sf)  }
0xbe: {  	s25 =	sand.u32 $0xFFFFFC00, s24;
	s26 =	spop (v2sf);
	s20 =	sshll.u32 s24, $0x7  }
0xbf: {  	(v2sf) =	vpush v0, $0x4;
	s21 =	sadd.s32 s25, s26;
	s20 =	sand.u32 $0x380, s20  }
0xc0: {  	(v2sf) =	vpush v63, $0x4;
	s20 =	sor.u32 s20, s21  }
0xc1: {  	s20 =	sshrl.u32 s20, $0x3  }
0xc2: {  	s28 =	sadd.s32 $0x8300, s19;
	s20 =	sadd.s32 s3, s20  }
0xc3: {  	[tilespmem:s28], [sflag:$0x2] =	stream.strided.gather [hbm4b:s20+s9], $0x0, s10, s9, $0x38;
	[tilespmem:$0x10200] =	vst v63  }
0xc4: {  	s29 =	spop (v2sf)  }
0xc5: {  	[tilespmem:s28], [sflag:$0x2] =	stream.linear.gather [hbm4b:s20+s2], $0x40, $0x38;
	[tilespmem:$0x10200] =	vst v63  }
0xc6: {  	(v2sf) =	vpush v0, $0x5;
	s30 =	sand.u32 $0xFFFFFC00, s29;
	s31 =	spop (v2sf);
	s20 =	sshll.u32 s29, $0x7  }
0xc7: {  	s21 =	sadd.s32 s30, s31;
	s20 =	sand.u32 $0x380, s20  }
0xc8: {  	(v2sf) =	vpush v63, $0x5;
	s20 =	sor.u32 s20, s21  }
0xc9: {  	s20 =	sshrl.u32 s20, $0x3  }
0xca: {  	s23 =	sadd.s32 $0x8380, s19;
	s20 =	sadd.s32 s3, s20  }
0xcb: {  	[tilespmem:s23], [sflag:$0x2] =	stream.strided.gather [hbm4b:s20+s9], $0x0, s10, s9, $0x38;
	[tilespmem:$0x10200] =	vst v63  }
0xcc: {  	_ = 	snop  }
0xcd: {  	[tilespmem:s23], [sflag:$0x2] =	stream.linear.gather [hbm4b:s20+s2], $0x40, $0x38;
	[tilespmem:$0x10200] =	vst v63  }
0xce: {  	s24 =	spop (v2sf)  }
0xcf: {  	s25 =	sand.u32 $0xFFFFFC00, s24;
	s26 =	spop (v2sf);
	s20 =	sshll.u32 s24, $0x7  }
0xd0: {  	(v2sf) =	vpush v0, $0x6;
	s21 =	sadd.s32 s25, s26;
	s20 =	sand.u32 $0x380, s20  }
0xd1: {  	(v2sf) =	vpush v63, $0x6;
	s20 =	sor.u32 s20, s21  }
0xd2: {  	s20 =	sshrl.u32 s20, $0x3  }
0xd3: {  	s28 =	sadd.s32 $0x8400, s19;
	s20 =	sadd.s32 s3, s20  }
0xd4: {  	[tilespmem:s28], [sflag:$0x2] =	stream.strided.gather [hbm4b:s20+s9], $0x0, s10, s9, $0x38;
	[tilespmem:$0x10200] =	vst v63  }
0xd5: {  	s29 =	spop (v2sf)  }
0xd6: {  	[tilespmem:s28], [sflag:$0x2] =	stream.linear.gather [hbm4b:s20+s2], $0x40, $0x38;
	[tilespmem:$0x10200] =	vst v63  }
0xd7: {  	(v2sf) =	vpush v0, $0x7;
	s30 =	sand.u32 $0xFFFFFC00, s29;
	s31 =	spop (v2sf);
	s20 =	sshll.u32 s29, $0x7  }
0xd8: {  	s21 =	sadd.s32 s30, s31;
	s20 =	sand.u32 $0x380, s20  }
0xd9: {  	(v2sf) =	vpush v63, $0x7;
	s20 =	sor.u32 s20, s21  }
0xda: {  	s20 =	sshrl.u32 s20, $0x3  }
0xdb: {  	s23 =	sadd.s32 $0x8480, s19;
	s20 =	sadd.s32 s3, s20  }
0xdc: {  	[tilespmem:s23], [sflag:$0x2] =	stream.strided.gather [hbm4b:s20+s9], $0x0, s10, s9, $0x38;
	[tilespmem:$0x10200] =	vst v63  }
0xdd: {  	_ = 	snop  }
0xde: {  	[tilespmem:s23], [sflag:$0x2] =	stream.linear.gather [hbm4b:s20+s2], $0x40, $0x38;
	[tilespmem:$0x10200] =	vst v63  }
0xdf: {  	s24 =	spop (v2sf)  }
0xe0: {  	s25 =	sand.u32 $0xFFFFFC00, s24;
	s26 =	spop (v2sf);
	s20 =	sshll.u32 s24, $0x7  }
0xe1: {  	(v2sf) =	vpush v0, $0x8;
	s21 =	sadd.s32 s25, s26;
	s20 =	sand.u32 $0x380, s20  }
0xe2: {  	(v2sf) =	vpush v63, $0x8;
	s20 =	sor.u32 s20, s21  }
0xe3: {  	s20 =	sshrl.u32 s20, $0x3  }
0xe4: {  	s28 =	sadd.s32 $0x8500, s19;
	s20 =	sadd.s32 s3, s20  }
0xe5: {  	[tilespmem:s28], [sflag:$0x2] =	stream.strided.gather [hbm4b:s20+s9], $0x0, s10, s9, $0x38;
	[tilespmem:$0x10200] =	vst v63  }
0xe6: {  	s29 =	spop (v2sf)  }
0xe7: {  	[tilespmem:s28], [sflag:$0x2] =	stream.linear.gather [hbm4b:s20+s2], $0x40, $0x38;
	[tilespmem:$0x10200] =	vst v63  }
0xe8: {  	(v2sf) =	vpush v0, $0x9;
	s30 =	sand.u32 $0xFFFFFC00, s29;
	s31 =	spop (v2sf);
	s20 =	sshll.u32 s29, $0x7  }
0xe9: {  	s21 =	sadd.s32 s30, s31;
	s20 =	sand.u32 $0x380, s20  }
0xea: {  	(v2sf) =	vpush v63, $0x9;
	s20 =	sor.u32 s20, s21  }
0xeb: {  	s20 =	sshrl.u32 s20, $0x3  }
0xec: {  	s23 =	sadd.s32 $0x8580, s19;
	s20 =	sadd.s32 s3, s20  }
0xed: {  	[tilespmem:s23], [sflag:$0x2] =	stream.strided.gather [hbm4b:s20+s9], $0x0, s10, s9, $0x38;
	[tilespmem:$0x10200] =	vst v63  }
0xee: {  	_ = 	snop  }
0xef: {  	[tilespmem:s23], [sflag:$0x2] =	stream.linear.gather [hbm4b:s20+s2], $0x40, $0x38;
	[tilespmem:$0x10200] =	vst v63  }
0xf0: {  	s24 =	spop (v2sf)  }
0xf1: {  	s25 =	sand.u32 $0xFFFFFC00, s24;
	s26 =	spop (v2sf);
	s20 =	sshll.u32 s24, $0x7  }
0xf2: {  	(v2sf) =	vpush v0, $0xA;
	s21 =	sadd.s32 s25, s26;
	s20 =	sand.u32 $0x380, s20  }
0xf3: {  	(v2sf) =	vpush v63, $0xA;
	s20 =	sor.u32 s20, s21  }
0xf4: {  	s20 =	sshrl.u32 s20, $0x3  }
0xf5: {  	s28 =	sadd.s32 $0x8600, s19;
	s20 =	sadd.s32 s3, s20  }
0xf6: {  	[tilespmem:s28], [sflag:$0x2] =	stream.strided.gather [hbm4b:s20+s9], $0x0, s10, s9, $0x38;
	[tilespmem:$0x10200] =	vst v63  }
0xf7: {  	s29 =	spop (v2sf)  }
0xf8: {  	[tilespmem:s28], [sflag:$0x2] =	stream.linear.gather [hbm4b:s20+s2], $0x40, $0x38;
	[tilespmem:$0x10200] =	vst v63  }
0xf9: {  	(v2sf) =	vpush v0, $0xB;
	s30 =	sand.u32 $0xFFFFFC00, s29;
	s31 =	spop (v2sf);
	s20 =	sshll.u32 s29, $0x7  }
0xfa: {  	s21 =	sadd.s32 s30, s31;
	s20 =	sand.u32 $0x380, s20  }
0xfb: {  	(v2sf) =	vpush v63, $0xB;
	s20 =	sor.u32 s20, s21  }
0xfc: {  	s20 =	sshrl.u32 s20, $0x3  }
0xfd: {  	s23 =	sadd.s32 $0x8680, s19;
	s20 =	sadd.s32 s3, s20  }
0xfe: {  	[tilespmem:s23], [sflag:$0x2] =	stream.strided.gather [hbm4b:s20+s9], $0x0, s10, s9, $0x38;
	[tilespmem:$0x10200] =	vst v63  }
0xff: {  	_ = 	snop  }
0x100: {  	[tilespmem:s23], [sflag:$0x2] =	stream.linear.gather [hbm4b:s20+s2], $0x40, $0x38;
	[tilespmem:$0x10200] =	vst v63  }
0x101: {  	s24 =	spop (v2sf)  }
0x102: {  	s25 =	sand.u32 $0xFFFFFC00, s24;
	s26 =	spop (v2sf);
	s20 =	sshll.u32 s24, $0x7  }
0x103: {  	(v2sf) =	vpush v0, $0xC;
	s21 =	sadd.s32 s25, s26;
	s20 =	sand.u32 $0x380, s20  }
0x104: {  	(v2sf) =	vpush v63, $0xC;
	s20 =	sor.u32 s20, s21  }
0x105: {  	s20 =	sshrl.u32 s20, $0x3  }
0x106: {  	s28 =	sadd.s32 $0x8700, s19;
	s20 =	sadd.s32 s3, s20  }
0x107: {  	[tilespmem:s28], [sflag:$0x2] =	stream.strided.gather [hbm4b:s20+s9], $0x0, s10, s9, $0x38;
	[tilespmem:$0x10200] =	vst v63  }
0x108: {  	s29 =	spop (v2sf);
	(v2sf) =	vpush v0, $0xD  }
0x109: {  	[tilespmem:s28], [sflag:$0x2] =	stream.linear.gather [hbm4b:s20+s2], $0x40, $0x38;
	[tilespmem:$0x10200] =	vst v63  }
0x10a: {  	s30 =	sand.u32 $0xFFFFFC00, s29;
	s31 =	spop (v2sf);
	(v2sf) =	vpush v63, $0xD;
	s20 =	sshll.u32 s29, $0x7  }
0x10b: {  	s21 =	sadd.s32 s30, s31;
	s20 =	sand.u32 $0x380, s20  }
0x10c: {  	s20 =	sor.u32 s20, s21  }
0x10d: {  	s20 =	sshrl.u32 s20, $0x3  }
0x10e: {  	s23 =	sadd.s32 $0x8780, s19;
	s20 =	sadd.s32 s3, s20  }
0x10f: {  	[tilespmem:s23], [sflag:$0x2] =	stream.strided.gather [hbm4b:s20+s9], $0x0, s10, s9, $0x38;
	[tilespmem:$0x10200] =	vst v63  }
0x110: {  	_ = 	snop  }
0x111: {  	[tilespmem:s23], [sflag:$0x2] =	stream.linear.gather [hbm4b:s20+s2], $0x40, $0x38;
	[tilespmem:$0x10200] =	vst v63  }
0x112: {  	s24 =	spop (v2sf);
	(v2sf) =	vpush v0, $0xE  }
0x113: {  	s25 =	sand.u32 $0xFFFFFC00, s24;
	s26 =	spop (v2sf);
	s20 =	sshll.u32 s24, $0x7  }
0x114: {  	(v2sf) =	vpush v63, $0xE;
	s21 =	sadd.s32 s25, s26;
	s20 =	sand.u32 $0x380, s20  }
0x115: {  	s20 =	sor.u32 s20, s21  }
0x116: {  	s20 =	sshrl.u32 s20, $0x3  }
0x117: {  	s28 =	sadd.s32 $0x8800, s19;
	s29 =	spop (v2sf);
	s20 =	sadd.s32 s3, s20  }
0x118: {  	(v2sf) =	vpush v63, $0xF;
	[tilespmem:s28], [sflag:$0x2] =	stream.strided.gather [hbm4b:s20+s9], $0x0, s10, s9, $0x38;
	[tilespmem:$0x10200] =	vst v63  }
0x119: {  	s31 =	spop (v2sf)  }
0x11a: {  	(v2sf) =	vpush v0, $0xF;
	[tilespmem:s28], [sflag:$0x2] =	stream.linear.gather [hbm4b:s20+s2], $0x40, $0x38;
	[tilespmem:$0x10200] =	vst v63  }
0x11b: {  	s30 =	sand.u32 $0xFFFFFC00, s29;
	s20 =	sshll.u32 s29, $0x7  }
0x11c: {  	s21 =	sadd.s32 s30, s31;
	s20 =	sand.u32 $0x380, s20  }
0x11d: {  	s20 =	sor.u32 s20, s21  }
0x11e: {  	s20 =	sshrl.u32 s20, $0x3  }
0x11f: {  	s22 =	sadd.s32 $0x8880, s19;
	s20 =	sadd.s32 s3, s20  }
0x120: {  	[tilespmem:s22], [sflag:$0x2] =	stream.strided.gather [hbm4b:s20+s9], $0x0, s10, s9, $0x38;
	[tilespmem:$0x10200] =	vst v63  }
0x121: {  	s23 =	spop (v2sf)  }
0x122: {  	[tilespmem:s22], [sflag:$0x2] =	stream.linear.gather [hbm4b:s20+s2], $0x40, $0x38;
	[tilespmem:$0x10200] =	vst v63  }
0x123: {  	s24 =	spop (v2sf);
	s25 =	sand.u32 $0xFFFFFC00, s23;
	s22 =	sshll.u32 s23, $0x7  }
0x124: {  	s20 =	sadd.s32 s25, s24;
	s26 =	sand.u32 $0x380, s22  }
0x125: {  	s20 =	sor.u32 s26, s20  }
0x126: {  	s20 =	sshrl.u32 s20, $0x3  }
0x127: {  	s28 =	sadd.s32 $0x8900, s19;
	s29 =	spop (v2sf);
	s20 =	sadd.s32 s3, s20  }
0x128: {  	[tilespmem:s28], [sflag:$0x2] =	stream.strided.gather [hbm4b:s20+s9], $0x0, s10, s9, $0x38;
	[tilespmem:$0x10200] =	vst v63  }
0x129: {  	s30 =	spop (v2sf)  }
0x12a: {  	[tilespmem:s28], [sflag:$0x2] =	stream.linear.gather [hbm4b:s20+s2], $0x40, $0x38;
	[tilespmem:$0x10200] =	vst v63  }
0x12b: {  	s31 =	sand.u32 $0xFFFFFC00, s30;
	s20 =	sshll.u32 s30, $0x7  }
0x12c: {  	s21 =	sadd.s32 s31, s29;
	s20 =	sand.u32 $0x380, s20  }
0x12d: {  	p0 =	sne.s32 s17, $0x1E000;
	s20 =	sor.u32 s20, s21  }
.Ltmp1:
0x12e: {  	s20 =	sshrl.u32 s20, $0x3;
	(pc) =	sbr.rel @p0 .LBB2_4-.Ltmp1, $4  }
0x12f: {  	s19 =	sadd.s32 $0x8980, s19;
	s20 =	sadd.s32 s3, s20  }
0x130: {  	[tilespmem:s19], [sflag:$0x2] =	stream.strided.gather [hbm4b:s20+s9], $0x0, s10, s9, $0x38;
	[tilespmem:$0x10200] =	vst v63  }
0x131: {  	s18 =	sadd.s32 $0x10, s18;
	s17 =	sadd.s32 $0x2000, s17  }
0x132: {  	[tilespmem:s19], [sflag:$0x2] =	stream.linear.gather [hbm4b:s20+s2], $0x40, $0x38;
	[tilespmem:$0x10200] =	vst v63  }
0x133: {  	_ =	swait.ge [sflag:s11], $0x4000  }
0x134: {  	[sflag:s11] =	ssyncset.done $0x0  }
0x135: {  	[sflag:s11] =	ssyncadd.s32 $0xFFFFC000  }
0x136: {  	[hbm4b:s5+s2] =	stream.linear.scatter [tilespmem:s12], [sflag:$0x3], $0x8000, $0x38;
	[tilespmem:$0x10200] =	vst v63  }
0x137: {  	_ =	swait.ge [sflag:s13], $0x4000  }
0x138: {  	[sflag:s13] =	ssyncset.done $0x0  }
0x139: {  	s16 =	sadd.s32 $0x1, s16;
	[sflag:s13] =	ssyncadd.s32 $0xFFFFC000  }
0x13a: {  	[hbm4b:s6+s2] =	stream.linear.scatter [tilespmem:s14], [sflag:$0x3], $0x8000, $0x38;
	[tilespmem:$0x10200] =	vst v63  }
0x13b: {  	p0 =	sne.s32 s16, s7;
	_ =	swait.ge [sflag:s15], $0x8000  }
.Ltmp2:
0x13c: {  	[sflag:s15] =	ssyncset.done $0x0;
	(pc) =	sbr.rel @p0 .LBB2_1-.Ltmp2, $4  }
0x13d: {  	[sflag:s15] =	ssyncadd.s32 $0xFFFF8000  }
0x13e: {  	_ =	swait.ge [sflag:s15], $0x8000  }
0x13f: {  	[sflag:s15] =	ssyncset.done $0x0  }
0x140: {  	[sflag:s15] =	ssyncadd.s32 $0xFFFF8000  }
0x141: {  	_ =	sfence.sel $0x180000  }
0x142: {  	[bflag:$0x0] =	sbarrier.arrive $0xFFFF  }
0x143: {  	p0 =	sne.s32 s1, $0x0;
	_ =	strace $0x90000047  }
0x144: {  	s0 =	sadd.s32 @!p0 $0x100000, s0;
	[bflag:$0x2] =	sbarrier.arrive $0xFFFF  }
0x145: {  	[sflag:s0] =	ssyncadd.tile.s32 @!p0 $0x1;
	_ =	shalt  }
.Lfunc_end2:
_tile_overlayer_lowered:
.L_overlay_start_2:
0x146: {  	(tag) =	ssettag $0x2  }
0x147: {  	s0 =	rddreg [dreg:$0x0];
	s2 =	stileid.u32  }
0x148: {  	s1 =	rddreg [dreg:$0x1];
	p0 =	sne.s32 s2, $0x0  }
0x149: {  	s3 =	rddreg [dreg:$0x2];
	[bflag:$0x3] =	sbarrier.arrive $0xFFFF;
	s2 =	simm.s32 @!p0 $0x1C04  }
0x14a: {  	[timem:s3], [sflag:s2] =	dma.local @!p0 [hbm:s0], s1  }
0x14b: {  	s0 =	simm.s32 @!p0 $0x4  }
0x14c: {  	_ =	swait.ge @!p0 [sflag:s0], s1  }
0x14d: {  	s1 =	ssub.s32 @!p0 $0x0, s1;
	[sflag:s0] =	ssyncset.done @!p0 $0x0  }
0x14e: {  	[sflag:s0] =	ssyncadd.s32 @!p0 s1  }
0x14f: {  	[bflag:$0x3] =	sbarrier.arrive $0xFFFF  }
0x150: {  	_ =	shalt  }

</sc_bundles>
